<compile_context>
chip_gen: v7x
topology: tpu7x:2x2x1
jax: 0.10.2.dev20260603
libtpu: 0.0.44.dev20260713+nightly
codegen_flags: <defaults>
</compile_context>

<pallas_src>
import functools

import jax
import jax.numpy as jnp
from jax import lax
from jax.experimental import pallas as pl
from jax.experimental.pallas import tpu as pltpu
from jax.experimental.pallas import tpu_sc as plsc

NC = 2
NS = 16
NW = NC * NS
L = 16
DEPTH = 3


def _delta_body(t_ref, d_ref):
    x = t_ref[...]
    shifted = jnp.concatenate([x[:, :1], x[:, :-1]], axis=1)
    d_ref[...] = x - shifted


def _make_delta(B, T):
    return pl.pallas_call(
        _delta_body,
        out_shape=jax.ShapeDtypeStruct((B, T), jnp.float32),
    )


def _make_remap(B, T, V):
    rows_w = B // NW
    n_pass = 8
    rows_c = rows_w // n_pass
    chunk = rows_c * T
    n_vec = chunk // L

    mesh = plsc.VectorSubcoreMesh(core_axis_name="c", subcore_axis_name="s")

    @functools.partial(
        pl.kernel,
        out_type=jax.ShapeDtypeStruct((B, T), jnp.int32),
        mesh=mesh,
        compiler_params=pltpu.CompilerParams(needs_layout_passes=False),
        scratch_types=(
            [pltpu.VMEM((V,), jnp.int32)]
            + [pltpu.VMEM((rows_c, T), jnp.int32)] * DEPTH
            + [pltpu.VMEM((rows_c, T), jnp.int32)] * DEPTH
            + [pltpu.SemaphoreType.DMA] * (1 + 2 * DEPTH)
        ),
    )
    def k(cat_hbm, map_hbm, mp_hbm, map_v, *rest):
        cat_v = list(rest[0:DEPTH])
        mp_v = list(rest[DEPTH:2 * DEPTH])
        sem_t = rest[2 * DEPTH]
        sem_in = list(rest[2 * DEPTH + 1: 2 * DEPTH + 1 + DEPTH])
        sem_out = list(rest[2 * DEPTH + 1 + DEPTH:])
        wid = lax.axis_index("s") * NC + lax.axis_index("c")
        w_row = wid * rows_w

        t_desc = pltpu.async_copy(map_hbm, map_v, sem_t)

        def start_in(pi):
            r0 = w_row + pi * rows_c
            s = pi % DEPTH
            return pltpu.async_copy(cat_hbm.at[pl.ds(r0, rows_c), :],
                                    cat_v[s], sem_in[s])

        in_descs = [None] * DEPTH
        out_descs = [None] * DEPTH
        for pi in range(DEPTH):
            in_descs[pi] = start_in(pi)
        lanes = lax.iota(jnp.int32, L)

        for pi in range(n_pass):
            s = pi % DEPTH
            in_descs[s].wait()
            if pi == 0:
                t_desc.wait()
            if out_descs[s] is not None:
                out_descs[s].wait()
            cv, mv = cat_v[s], mp_v[s]

            @plsc.parallel_loop(0, n_vec, 1, unroll=8)
            def body(j, cv=cv, mv=mv):
                p = j * L + lanes
                r = lax.div(p, T)
                c = lax.rem(p, T)
                ci = plsc.load_gather(cv, [r, c])
                plsc.store_scatter(mv, [r, c], plsc.load_gather(map_v, [ci]))

            r0 = w_row + pi * rows_c
            out_descs[s] = pltpu.async_copy(
                mv, mp_hbm.at[pl.ds(r0, rows_c), :], sem_out[s])
            if pi + DEPTH < n_pass:
                in_descs[s] = start_in(pi + DEPTH)

        for s in range(DEPTH):
            if out_descs[s] is not None:
                out_descs[s].wait()

    return k


def kernel(times, cat, mapping):
    B, T = times.shape
    V = mapping.shape[0]
    mapped = _make_remap(B, T, V)(cat, mapping)
    deltas = _make_delta(B, T)(times)
    return deltas, mapped

# --- scband reference (transcript-rebuilt; emitter-appended) ---
"""Pipeline reference for scband-base-adapter-44933947851334 (READ-ONLY COPY).

The authoritative reference and input builder live on the scoring server;
editing this copy changes nothing except your own understanding.
"""

import jax, jax.numpy as jnp
import numpy as np

VOCAB = 100000
B, T = 4096, 200


def setup_inputs(seed: int = 0) -> dict:
    key = jax.random.key(seed)
    k1, k2, k3 = jax.random.split(key, 3)
    # Monotonically increasing event timestamps (B, T), like Unix times per sequence.
    times = jnp.cumsum(jax.random.uniform(k1, (B, T), dtype=jnp.float32) * 10.0, axis=1)
    # Raw category ids per event.
    cat = jax.random.randint(k2, (B, T), 0, VOCAB, dtype=jnp.int32)
    # category_mapping buffer: a dense id -> id lookup table (permutation of the vocab),
    # equivalent to the scatter-built `category_mapping_0` buffer in the torch module.
    mapping = jax.random.permutation(k3, jnp.arange(VOCAB, dtype=jnp.int32))
    return {"times": times, "cat": cat, "mapping": mapping}


def reference(times, cat, mapping):
    # prepare_features with right padding (batch.left=False), time_input_delta=True, time_int=False:
    # 1) save raw times, 2) compute time deltas with delta[:, 0] = 0,
    # 3) remap category features via the mapping table gather.
    zeros = jnp.zeros((times.shape[0], 1), dtype=times.dtype)
    deltas = jnp.concatenate([zeros, times[:, 1:] - times[:, :-1]], axis=1)
    # mapping[batch.payload[field].flatten()].reshape(shape) -> a plain embedding-style gather
    mapped = jnp.take(mapping, cat, axis=0)
    return deltas, mapped

if __name__ == "__main__":
    import jax
    _d = setup_inputs()
    print(jax.jit(kernel)(*tuple(_d.values())))

</pallas_src>

<mosaic_0001>
#map = affine_map<(d0, d1) -> (0, 0)>
#map1 = affine_map<(d0, d1) -> (0)>
module attributes {stable_mosaic.version = 14 : i64} {
  func.func @k(%arg0: i32, %arg1: i32, %arg2: memref<4096x200xi32, #tpu.memory_space<hbm>>, %arg3: memref<100000xi32, #tpu.memory_space<hbm>>, %arg4: memref<4096x200xi32, #tpu.memory_space<hbm>>, %arg5: memref<100000xi32, #tpu.memory_space<vmem>>, %arg6: memref<16x200xi32, #tpu.memory_space<vmem>>, %arg7: memref<16x200xi32, #tpu.memory_space<vmem>>, %arg8: memref<16x200xi32, #tpu.memory_space<vmem>>, %arg9: memref<16x200xi32, #tpu.memory_space<vmem>>, %arg10: memref<16x200xi32, #tpu.memory_space<vmem>>, %arg11: memref<16x200xi32, #tpu.memory_space<vmem>>, %arg12: memref<!tpu.dma_semaphore, #tpu.memory_space<semaphore_mem>>, %arg13: memref<!tpu.dma_semaphore, #tpu.memory_space<semaphore_mem>>, %arg14: memref<!tpu.dma_semaphore, #tpu.memory_space<semaphore_mem>>, %arg15: memref<!tpu.dma_semaphore, #tpu.memory_space<semaphore_mem>>, %arg16: memref<!tpu.dma_semaphore, #tpu.memory_space<semaphore_mem>>, %arg17: memref<!tpu.dma_semaphore, #tpu.memory_space<semaphore_mem>>, %arg18: memref<!tpu.dma_semaphore, #tpu.memory_space<semaphore_mem>>) attributes {dimension_semantics = [#tpu.dimension_semantics<core_parallel>, #tpu.dimension_semantics<subcore_parallel>], iteration_bounds = array<i64: 2, 16>, scalar_prefetch = 0 : i64, scratch_operands = 14 : i64, tpu.core_type = #tpu.core_type<sc_vector_subcore>, window_params = [{transform_indices = #map}, {transform_indices = #map1}, {transform_indices = #map}]} {
    %mul3A = arith.constant 2 : i32
    %mul3A_0 = arith.muli %arg1, %mul3A : i32
    %add3A = arith.addi %mul3A_0, %arg0 : i32
    %mul3A_1 = arith.constant 128 : i32
    %mul3A_2 = arith.muli %add3A, %mul3A_1 : i32
    tpu.enqueue_dma source(%arg3 : memref<100000xi32, #tpu.memory_space<hbm>>) target(%arg5 : memref<100000xi32, #tpu.memory_space<vmem>>) target_semaphore(%arg12 : memref<!tpu.dma_semaphore, #tpu.memory_space<semaphore_mem>>)
    %add3A_3 = arith.constant 0 : i32
    %add3A_4 = arith.addi %mul3A_2, %add3A_3 : i32
    %dma_start3A = arith.constant 0 : i32
    %dma_start3A_5 = tpu.memref_slice %arg2[%add3A_4, %dma_start3A] : memref<4096x200xi32, #tpu.memory_space<hbm>> -> memref<16x200xi32, #tpu.memory_space<hbm>>
    %dma_start3A_6 = arith.constant 0 : i32
    %dma_start3A_7 = tpu.memref_slice %arg2[%add3A_4, %dma_start3A_6] : memref<4096x200xi32, #tpu.memory_space<hbm>> -> memref<16x200xi32, #tpu.memory_space<hbm>>
    tpu.enqueue_dma source(%dma_start3A_7 : memref<16x200xi32, #tpu.memory_space<hbm>>) target(%arg6 : memref<16x200xi32, #tpu.memory_space<vmem>>) target_semaphore(%arg13 : memref<!tpu.dma_semaphore, #tpu.memory_space<semaphore_mem>>)
    %add3A_8 = arith.constant 16 : i32
    %add3A_9 = arith.addi %mul3A_2, %add3A_8 : i32
    %dma_start3A_10 = arith.constant 0 : i32
    %dma_start3A_11 = tpu.memref_slice %arg2[%add3A_9, %dma_start3A_10] : memref<4096x200xi32, #tpu.memory_space<hbm>> -> memref<16x200xi32, #tpu.memory_space<hbm>>
    %dma_start3A_12 = arith.constant 0 : i32
    %dma_start3A_13 = tpu.memref_slice %arg2[%add3A_9, %dma_start3A_12] : memref<4096x200xi32, #tpu.memory_space<hbm>> -> memref<16x200xi32, #tpu.memory_space<hbm>>
    tpu.enqueue_dma source(%dma_start3A_13 : memref<16x200xi32, #tpu.memory_space<hbm>>) target(%arg7 : memref<16x200xi32, #tpu.memory_space<vmem>>) target_semaphore(%arg14 : memref<!tpu.dma_semaphore, #tpu.memory_space<semaphore_mem>>)
    %add3A_14 = arith.constant 32 : i32
    %add3A_15 = arith.addi %mul3A_2, %add3A_14 : i32
    %dma_start3A_16 = arith.constant 0 : i32
    %dma_start3A_17 = tpu.memref_slice %arg2[%add3A_15, %dma_start3A_16] : memref<4096x200xi32, #tpu.memory_space<hbm>> -> memref<16x200xi32, #tpu.memory_space<hbm>>
    %dma_start3A_18 = arith.constant 0 : i32
    %dma_start3A_19 = tpu.memref_slice %arg2[%add3A_15, %dma_start3A_18] : memref<4096x200xi32, #tpu.memory_space<hbm>> -> memref<16x200xi32, #tpu.memory_space<hbm>>
    tpu.enqueue_dma source(%dma_start3A_19 : memref<16x200xi32, #tpu.memory_space<hbm>>) target(%arg8 : memref<16x200xi32, #tpu.memory_space<vmem>>) target_semaphore(%arg15 : memref<!tpu.dma_semaphore, #tpu.memory_space<semaphore_mem>>)
    %iota3A = tpu.iota {dimensions = array<i32: 0>} : vector<16xi32>
    %dma_wait3A = arith.constant 0 : i32
    %dma_wait3A_20 = tpu.memref_slice %arg2[%add3A_4, %dma_wait3A] : memref<4096x200xi32, #tpu.memory_space<hbm>> -> memref<16x200xi32, #tpu.memory_space<hbm>>
    %dma_wait3A_21 = arith.constant 0 : i32
    %dma_wait3A_22 = tpu.memref_slice %arg2[%add3A_4, %dma_wait3A_21] : memref<4096x200xi32, #tpu.memory_space<hbm>> -> memref<16x200xi32, #tpu.memory_space<hbm>>
    tpu.wait_dma2 semaphore(%arg13 : memref<!tpu.dma_semaphore, #tpu.memory_space<semaphore_mem>>) src(%dma_wait3A_22 : memref<16x200xi32, #tpu.memory_space<hbm>>) dst(%arg6 : memref<16x200xi32, #tpu.memory_space<vmem>>)
    tpu.wait_dma2 semaphore(%arg12 : memref<!tpu.dma_semaphore, #tpu.memory_space<semaphore_mem>>) src(%arg3 : memref<100000xi32, #tpu.memory_space<hbm>>) dst(%arg5 : memref<100000xi32, #tpu.memory_space<vmem>>)
    %parallel_loop3A = arith.constant 0 : i32
    %parallel_loop3A_23 = arith.constant 200 : i32
    %parallel_loop3A_24 = arith.constant 1 : i32
    scf.for %parallel_loop3A_184 = %parallel_loop3A to %parallel_loop3A_23 step %parallel_loop3A_24  : i32 {
      %parallel_loop3A_185 = arith.constant 16 : i32
      %parallel_loop3A_186 = arith.muli %parallel_loop3A_184, %parallel_loop3A_185 : i32
      %parallel_loop3A_187 = vector.broadcast %parallel_loop3A_186 : i32 to vector<16xi32>
      %parallel_loop3A_188 = arith.addi %parallel_loop3A_187, %iota3A : vector<16xi32>
      %parallel_loop3A_189 = arith.constant 200 : i32
      %parallel_loop3A_190 = vector.broadcast %parallel_loop3A_189 : i32 to vector<16xi32>
      %parallel_loop3A_191 = arith.divsi %parallel_loop3A_188, %parallel_loop3A_190 : vector<16xi32>
      %parallel_loop3A_192 = arith.constant 200 : i32
      %parallel_loop3A_193 = vector.broadcast %parallel_loop3A_192 : i32 to vector<16xi32>
      %parallel_loop3A_194 = arith.remsi %parallel_loop3A_188, %parallel_loop3A_193 : vector<16xi32>
      %parallel_loop3A_195 = tpu.vector_load_idx %arg6[%parallel_loop3A_191, %parallel_loop3A_194] : memref<16x200xi32, #tpu.memory_space<vmem>>[vector<16xi32>, vector<16xi32>], vector<16xi32>,
      %parallel_loop3A_196 = tpu.vector_load_idx %arg5[%parallel_loop3A_195] : memref<100000xi32, #tpu.memory_space<vmem>>[vector<16xi32>], vector<16xi32>,
      tpu.vector_store_idx %arg9[%parallel_loop3A_191, %parallel_loop3A_194], %parallel_loop3A_196 : memref<16x200xi32, #tpu.memory_space<vmem>>[vector<16xi32>, vector<16xi32>], vector<16xi32>,
    } {sc.loop_unroll_factor = 8 : i64, sc.parallel_access}
    %add3A_25 = arith.constant 0 : i32
    %add3A_26 = arith.addi %mul3A_2, %add3A_25 : i32
    %dma_start3A_27 = arith.constant 0 : i32
    %dma_start3A_28 = tpu.memref_slice %arg4[%add3A_26, %dma_start3A_27] : memref<4096x200xi32, #tpu.memory_space<hbm>> -> memref<16x200xi32, #tpu.memory_space<hbm>>
    %dma_start3A_29 = arith.constant 0 : i32
    %dma_start3A_30 = tpu.memref_slice %arg4[%add3A_26, %dma_start3A_29] : memref<4096x200xi32, #tpu.memory_space<hbm>> -> memref<16x200xi32, #tpu.memory_space<hbm>>
    tpu.enqueue_dma source(%arg9 : memref<16x200xi32, #tpu.memory_space<vmem>>) target(%dma_start3A_30 : memref<16x200xi32, #tpu.memory_space<hbm>>) target_semaphore(%arg16 : memref<!tpu.dma_semaphore, #tpu.memory_space<semaphore_mem>>)
    %add3A_31 = arith.constant 48 : i32
    %add3A_32 = arith.addi %mul3A_2, %add3A_31 : i32
    %dma_start3A_33 = arith.constant 0 : i32
    %dma_start3A_34 = tpu.memref_slice %arg2[%add3A_32, %dma_start3A_33] : memref<4096x200xi32, #tpu.memory_space<hbm>> -> memref<16x200xi32, #tpu.memory_space<hbm>>
    %dma_start3A_35 = arith.constant 0 : i32
    %dma_start3A_36 = tpu.memref_slice %arg2[%add3A_32, %dma_start3A_35] : memref<4096x200xi32, #tpu.memory_space<hbm>> -> memref<16x200xi32, #tpu.memory_space<hbm>>
    tpu.enqueue_dma source(%dma_start3A_36 : memref<16x200xi32, #tpu.memory_space<hbm>>) target(%arg6 : memref<16x200xi32, #tpu.memory_space<vmem>>) target_semaphore(%arg13 : memref<!tpu.dma_semaphore, #tpu.memory_space<semaphore_mem>>)
    %dma_wait3A_37 = arith.constant 0 : i32
    %dma_wait3A_38 = tpu.memref_slice %arg2[%add3A_9, %dma_wait3A_37] : memref<4096x200xi32, #tpu.memory_space<hbm>> -> memref<16x200xi32, #tpu.memory_space<hbm>>
    %dma_wait3A_39 = arith.constant 0 : i32
    %dma_wait3A_40 = tpu.memref_slice %arg2[%add3A_9, %dma_wait3A_39] : memref<4096x200xi32, #tpu.memory_space<hbm>> -> memref<16x200xi32, #tpu.memory_space<hbm>>
    tpu.wait_dma2 semaphore(%arg14 : memref<!tpu.dma_semaphore, #tpu.memory_space<semaphore_mem>>) src(%dma_wait3A_40 : memref<16x200xi32, #tpu.memory_space<hbm>>) dst(%arg7 : memref<16x200xi32, #tpu.memory_space<vmem>>)
    %parallel_loop3A_41 = arith.constant 0 : i32
    %parallel_loop3A_42 = arith.constant 200 : i32
    %parallel_loop3A_43 = arith.constant 1 : i32
    scf.for %parallel_loop3A_184 = %parallel_loop3A_41 to %parallel_loop3A_42 step %parallel_loop3A_43  : i32 {
      %parallel_loop3A_185 = arith.constant 16 : i32
      %parallel_loop3A_186 = arith.muli %parallel_loop3A_184, %parallel_loop3A_185 : i32
      %parallel_loop3A_187 = vector.broadcast %parallel_loop3A_186 : i32 to vector<16xi32>
      %parallel_loop3A_188 = arith.addi %parallel_loop3A_187, %iota3A : vector<16xi32>
      %parallel_loop3A_189 = arith.constant 200 : i32
      %parallel_loop3A_190 = vector.broadcast %parallel_loop3A_189 : i32 to vector<16xi32>
      %parallel_loop3A_191 = arith.divsi %parallel_loop3A_188, %parallel_loop3A_190 : vector<16xi32>
      %parallel_loop3A_192 = arith.constant 200 : i32
      %parallel_loop3A_193 = vector.broadcast %parallel_loop3A_192 : i32 to vector<16xi32>
      %parallel_loop3A_194 = arith.remsi %parallel_loop3A_188, %parallel_loop3A_193 : vector<16xi32>
      %parallel_loop3A_195 = tpu.vector_load_idx %arg7[%parallel_loop3A_191, %parallel_loop3A_194] : memref<16x200xi32, #tpu.memory_space<vmem>>[vector<16xi32>, vector<16xi32>], vector<16xi32>,
      %parallel_loop3A_196 = tpu.vector_load_idx %arg5[%parallel_loop3A_195] : memref<100000xi32, #tpu.memory_space<vmem>>[vector<16xi32>], vector<16xi32>,
      tpu.vector_store_idx %arg10[%parallel_loop3A_191, %parallel_loop3A_194], %parallel_loop3A_196 : memref<16x200xi32, #tpu.memory_space<vmem>>[vector<16xi32>, vector<16xi32>], vector<16xi32>,
    } {sc.loop_unroll_factor = 8 : i64, sc.parallel_access}
    %add3A_44 = arith.constant 16 : i32
    %add3A_45 = arith.addi %mul3A_2, %add3A_44 : i32
    %dma_start3A_46 = arith.constant 0 : i32
    %dma_start3A_47 = tpu.memref_slice %arg4[%add3A_45, %dma_start3A_46] : memref<4096x200xi32, #tpu.memory_space<hbm>> -> memref<16x200xi32, #tpu.memory_space<hbm>>
    %dma_start3A_48 = arith.constant 0 : i32
    %dma_start3A_49 = tpu.memref_slice %arg4[%add3A_45, %dma_start3A_48] : memref<4096x200xi32, #tpu.memory_space<hbm>> -> memref<16x200xi32, #tpu.memory_space<hbm>>
    tpu.enqueue_dma source(%arg10 : memref<16x200xi32, #tpu.memory_space<vmem>>) target(%dma_start3A_49 : memref<16x200xi32, #tpu.memory_space<hbm>>) target_semaphore(%arg17 : memref<!tpu.dma_semaphore, #tpu.memory_space<semaphore_mem>>)
    %add3A_50 = arith.constant 64 : i32
    %add3A_51 = arith.addi %mul3A_2, %add3A_50 : i32
    %dma_start3A_52 = arith.constant 0 : i32
    %dma_start3A_53 = tpu.memref_slice %arg2[%add3A_51, %dma_start3A_52] : memref<4096x200xi32, #tpu.memory_space<hbm>> -> memref<16x200xi32, #tpu.memory_space<hbm>>
    %dma_start3A_54 = arith.constant 0 : i32
    %dma_start3A_55 = tpu.memref_slice %arg2[%add3A_51, %dma_start3A_54] : memref<4096x200xi32, #tpu.memory_space<hbm>> -> memref<16x200xi32, #tpu.memory_space<hbm>>
    tpu.enqueue_dma source(%dma_start3A_55 : memref<16x200xi32, #tpu.memory_space<hbm>>) target(%arg7 : memref<16x200xi32, #tpu.memory_space<vmem>>) target_semaphore(%arg14 : memref<!tpu.dma_semaphore, #tpu.memory_space<semaphore_mem>>)
    %dma_wait3A_56 = arith.constant 0 : i32
    %dma_wait3A_57 = tpu.memref_slice %arg2[%add3A_15, %dma_wait3A_56] : memref<4096x200xi32, #tpu.memory_space<hbm>> -> memref<16x200xi32, #tpu.memory_space<hbm>>
    %dma_wait3A_58 = arith.constant 0 : i32
    %dma_wait3A_59 = tpu.memref_slice %arg2[%add3A_15, %dma_wait3A_58] : memref<4096x200xi32, #tpu.memory_space<hbm>> -> memref<16x200xi32, #tpu.memory_space<hbm>>
    tpu.wait_dma2 semaphore(%arg15 : memref<!tpu.dma_semaphore, #tpu.memory_space<semaphore_mem>>) src(%dma_wait3A_59 : memref<16x200xi32, #tpu.memory_space<hbm>>) dst(%arg8 : memref<16x200xi32, #tpu.memory_space<vmem>>)
    %parallel_loop3A_60 = arith.constant 0 : i32
    %parallel_loop3A_61 = arith.constant 200 : i32
    %parallel_loop3A_62 = arith.constant 1 : i32
    scf.for %parallel_loop3A_184 = %parallel_loop3A_60 to %parallel_loop3A_61 step %parallel_loop3A_62  : i32 {
      %parallel_loop3A_185 = arith.constant 16 : i32
      %parallel_loop3A_186 = arith.muli %parallel_loop3A_184, %parallel_loop3A_185 : i32
      %parallel_loop3A_187 = vector.broadcast %parallel_loop3A_186 : i32 to vector<16xi32>
      %parallel_loop3A_188 = arith.addi %parallel_loop3A_187, %iota3A : vector<16xi32>
      %parallel_loop3A_189 = arith.constant 200 : i32
      %parallel_loop3A_190 = vector.broadcast %parallel_loop3A_189 : i32 to vector<16xi32>
      %parallel_loop3A_191 = arith.divsi %parallel_loop3A_188, %parallel_loop3A_190 : vector<16xi32>
      %parallel_loop3A_192 = arith.constant 200 : i32
      %parallel_loop3A_193 = vector.broadcast %parallel_loop3A_192 : i32 to vector<16xi32>
      %parallel_loop3A_194 = arith.remsi %parallel_loop3A_188, %parallel_loop3A_193 : vector<16xi32>
      %parallel_loop3A_195 = tpu.vector_load_idx %arg8[%parallel_loop3A_191, %parallel_loop3A_194] : memref<16x200xi32, #tpu.memory_space<vmem>>[vector<16xi32>, vector<16xi32>], vector<16xi32>,
      %parallel_loop3A_196 = tpu.vector_load_idx %arg5[%parallel_loop3A_195] : memref<100000xi32, #tpu.memory_space<vmem>>[vector<16xi32>], vector<16xi32>,
      tpu.vector_store_idx %arg11[%parallel_loop3A_191, %parallel_loop3A_194], %parallel_loop3A_196 : memref<16x200xi32, #tpu.memory_space<vmem>>[vector<16xi32>, vector<16xi32>], vector<16xi32>,
    } {sc.loop_unroll_factor = 8 : i64, sc.parallel_access}
    %add3A_63 = arith.constant 32 : i32
    %add3A_64 = arith.addi %mul3A_2, %add3A_63 : i32
    %dma_start3A_65 = arith.constant 0 : i32
    %dma_start3A_66 = tpu.memref_slice %arg4[%add3A_64, %dma_start3A_65] : memref<4096x200xi32, #tpu.memory_space<hbm>> -> memref<16x200xi32, #tpu.memory_space<hbm>>
    %dma_start3A_67 = arith.constant 0 : i32
    %dma_start3A_68 = tpu.memref_slice %arg4[%add3A_64, %dma_start3A_67] : memref<4096x200xi32, #tpu.memory_space<hbm>> -> memref<16x200xi32, #tpu.memory_space<hbm>>
    tpu.enqueue_dma source(%arg11 : memref<16x200xi32, #tpu.memory_space<vmem>>) target(%dma_start3A_68 : memref<16x200xi32, #tpu.memory_space<hbm>>) target_semaphore(%arg18 : memref<!tpu.dma_semaphore, #tpu.memory_space<semaphore_mem>>)
    %add3A_69 = arith.constant 80 : i32
    %add3A_70 = arith.addi %mul3A_2, %add3A_69 : i32
    %dma_start3A_71 = arith.constant 0 : i32
    %dma_start3A_72 = tpu.memref_slice %arg2[%add3A_70, %dma_start3A_71] : memref<4096x200xi32, #tpu.memory_space<hbm>> -> memref<16x200xi32, #tpu.memory_space<hbm>>
    %dma_start3A_73 = arith.constant 0 : i32
    %dma_start3A_74 = tpu.memref_slice %arg2[%add3A_70, %dma_start3A_73] : memref<4096x200xi32, #tpu.memory_space<hbm>> -> memref<16x200xi32, #tpu.memory_space<hbm>>
    tpu.enqueue_dma source(%dma_start3A_74 : memref<16x200xi32, #tpu.memory_space<hbm>>) target(%arg8 : memref<16x200xi32, #tpu.memory_space<vmem>>) target_semaphore(%arg15 : memref<!tpu.dma_semaphore, #tpu.memory_space<semaphore_mem>>)
    %dma_wait3A_75 = arith.constant 0 : i32
    %dma_wait3A_76 = tpu.memref_slice %arg2[%add3A_32, %dma_wait3A_75] : memref<4096x200xi32, #tpu.memory_space<hbm>> -> memref<16x200xi32, #tpu.memory_space<hbm>>
    %dma_wait3A_77 = arith.constant 0 : i32
    %dma_wait3A_78 = tpu.memref_slice %arg2[%add3A_32, %dma_wait3A_77] : memref<4096x200xi32, #tpu.memory_space<hbm>> -> memref<16x200xi32, #tpu.memory_space<hbm>>
    tpu.wait_dma2 semaphore(%arg13 : memref<!tpu.dma_semaphore, #tpu.memory_space<semaphore_mem>>) src(%dma_wait3A_78 : memref<16x200xi32, #tpu.memory_space<hbm>>) dst(%arg6 : memref<16x200xi32, #tpu.memory_space<vmem>>)
    %dma_wait3A_79 = arith.constant 0 : i32
    %dma_wait3A_80 = tpu.memref_slice %arg4[%add3A_26, %dma_wait3A_79] : memref<4096x200xi32, #tpu.memory_space<hbm>> -> memref<16x200xi32, #tpu.memory_space<hbm>>
    %dma_wait3A_81 = arith.constant 0 : i32
    %dma_wait3A_82 = tpu.memref_slice %arg4[%add3A_26, %dma_wait3A_81] : memref<4096x200xi32, #tpu.memory_space<hbm>> -> memref<16x200xi32, #tpu.memory_space<hbm>>
    tpu.wait_dma2 semaphore(%arg16 : memref<!tpu.dma_semaphore, #tpu.memory_space<semaphore_mem>>) src(%arg9 : memref<16x200xi32, #tpu.memory_space<vmem>>) dst(%dma_wait3A_82 : memref<16x200xi32, #tpu.memory_space<hbm>>)
    %parallel_loop3A_83 = arith.constant 0 : i32
    %parallel_loop3A_84 = arith.constant 200 : i32
    %parallel_loop3A_85 = arith.constant 1 : i32
    scf.for %parallel_loop3A_184 = %parallel_loop3A_83 to %parallel_loop3A_84 step %parallel_loop3A_85  : i32 {
      %parallel_loop3A_185 = arith.constant 16 : i32
      %parallel_loop3A_186 = arith.muli %parallel_loop3A_184, %parallel_loop3A_185 : i32
      %parallel_loop3A_187 = vector.broadcast %parallel_loop3A_186 : i32 to vector<16xi32>
      %parallel_loop3A_188 = arith.addi %parallel_loop3A_187, %iota3A : vector<16xi32>
      %parallel_loop3A_189 = arith.constant 200 : i32
      %parallel_loop3A_190 = vector.broadcast %parallel_loop3A_189 : i32 to vector<16xi32>
      %parallel_loop3A_191 = arith.divsi %parallel_loop3A_188, %parallel_loop3A_190 : vector<16xi32>
      %parallel_loop3A_192 = arith.constant 200 : i32
      %parallel_loop3A_193 = vector.broadcast %parallel_loop3A_192 : i32 to vector<16xi32>
      %parallel_loop3A_194 = arith.remsi %parallel_loop3A_188, %parallel_loop3A_193 : vector<16xi32>
      %parallel_loop3A_195 = tpu.vector_load_idx %arg6[%parallel_loop3A_191, %parallel_loop3A_194] : memref<16x200xi32, #tpu.memory_space<vmem>>[vector<16xi32>, vector<16xi32>], vector<16xi32>,
      %parallel_loop3A_196 = tpu.vector_load_idx %arg5[%parallel_loop3A_195] : memref<100000xi32, #tpu.memory_space<vmem>>[vector<16xi32>], vector<16xi32>,
      tpu.vector_store_idx %arg9[%parallel_loop3A_191, %parallel_loop3A_194], %parallel_loop3A_196 : memref<16x200xi32, #tpu.memory_space<vmem>>[vector<16xi32>, vector<16xi32>], vector<16xi32>,
    } {sc.loop_unroll_factor = 8 : i64, sc.parallel_access}
    %add3A_86 = arith.constant 48 : i32
    %add3A_87 = arith.addi %mul3A_2, %add3A_86 : i32
    %dma_start3A_88 = arith.constant 0 : i32
    %dma_start3A_89 = tpu.memref_slice %arg4[%add3A_87, %dma_start3A_88] : memref<4096x200xi32, #tpu.memory_space<hbm>> -> memref<16x200xi32, #tpu.memory_space<hbm>>
    %dma_start3A_90 = arith.constant 0 : i32
    %dma_start3A_91 = tpu.memref_slice %arg4[%add3A_87, %dma_start3A_90] : memref<4096x200xi32, #tpu.memory_space<hbm>> -> memref<16x200xi32, #tpu.memory_space<hbm>>
    tpu.enqueue_dma source(%arg9 : memref<16x200xi32, #tpu.memory_space<vmem>>) target(%dma_start3A_91 : memref<16x200xi32, #tpu.memory_space<hbm>>) target_semaphore(%arg16 : memref<!tpu.dma_semaphore, #tpu.memory_space<semaphore_mem>>)
    %add3A_92 = arith.constant 96 : i32
    %add3A_93 = arith.addi %mul3A_2, %add3A_92 : i32
    %dma_start3A_94 = arith.constant 0 : i32
    %dma_start3A_95 = tpu.memref_slice %arg2[%add3A_93, %dma_start3A_94] : memref<4096x200xi32, #tpu.memory_space<hbm>> -> memref<16x200xi32, #tpu.memory_space<hbm>>
    %dma_start3A_96 = arith.constant 0 : i32
    %dma_start3A_97 = tpu.memref_slice %arg2[%add3A_93, %dma_start3A_96] : memref<4096x200xi32, #tpu.memory_space<hbm>> -> memref<16x200xi32, #tpu.memory_space<hbm>>
    tpu.enqueue_dma source(%dma_start3A_97 : memref<16x200xi32, #tpu.memory_space<hbm>>) target(%arg6 : memref<16x200xi32, #tpu.memory_space<vmem>>) target_semaphore(%arg13 : memref<!tpu.dma_semaphore, #tpu.memory_space<semaphore_mem>>)
    %dma_wait3A_98 = arith.constant 0 : i32
    %dma_wait3A_99 = tpu.memref_slice %arg2[%add3A_51, %dma_wait3A_98] : memref<4096x200xi32, #tpu.memory_space<hbm>> -> memref<16x200xi32, #tpu.memory_space<hbm>>
    %dma_wait3A_100 = arith.constant 0 : i32
    %dma_wait3A_101 = tpu.memref_slice %arg2[%add3A_51, %dma_wait3A_100] : memref<4096x200xi32, #tpu.memory_space<hbm>> -> memref<16x200xi32, #tpu.memory_space<hbm>>
    tpu.wait_dma2 semaphore(%arg14 : memref<!tpu.dma_semaphore, #tpu.memory_space<semaphore_mem>>) src(%dma_wait3A_101 : memref<16x200xi32, #tpu.memory_space<hbm>>) dst(%arg7 : memref<16x200xi32, #tpu.memory_space<vmem>>)
    %dma_wait3A_102 = arith.constant 0 : i32
    %dma_wait3A_103 = tpu.memref_slice %arg4[%add3A_45, %dma_wait3A_102] : memref<4096x200xi32, #tpu.memory_space<hbm>> -> memref<16x200xi32, #tpu.memory_space<hbm>>
    %dma_wait3A_104 = arith.constant 0 : i32
    %dma_wait3A_105 = tpu.memref_slice %arg4[%add3A_45, %dma_wait3A_104] : memref<4096x200xi32, #tpu.memory_space<hbm>> -> memref<16x200xi32, #tpu.memory_space<hbm>>
    tpu.wait_dma2 semaphore(%arg17 : memref<!tpu.dma_semaphore, #tpu.memory_space<semaphore_mem>>) src(%arg10 : memref<16x200xi32, #tpu.memory_space<vmem>>) dst(%dma_wait3A_105 : memref<16x200xi32, #tpu.memory_space<hbm>>)
    %parallel_loop3A_106 = arith.constant 0 : i32
    %parallel_loop3A_107 = arith.constant 200 : i32
    %parallel_loop3A_108 = arith.constant 1 : i32
    scf.for %parallel_loop3A_184 = %parallel_loop3A_106 to %parallel_loop3A_107 step %parallel_loop3A_108  : i32 {
      %parallel_loop3A_185 = arith.constant 16 : i32
      %parallel_loop3A_186 = arith.muli %parallel_loop3A_184, %parallel_loop3A_185 : i32
      %parallel_loop3A_187 = vector.broadcast %parallel_loop3A_186 : i32 to vector<16xi32>
      %parallel_loop3A_188 = arith.addi %parallel_loop3A_187, %iota3A : vector<16xi32>
      %parallel_loop3A_189 = arith.constant 200 : i32
      %parallel_loop3A_190 = vector.broadcast %parallel_loop3A_189 : i32 to vector<16xi32>
      %parallel_loop3A_191 = arith.divsi %parallel_loop3A_188, %parallel_loop3A_190 : vector<16xi32>
      %parallel_loop3A_192 = arith.constant 200 : i32
      %parallel_loop3A_193 = vector.broadcast %parallel_loop3A_192 : i32 to vector<16xi32>
      %parallel_loop3A_194 = arith.remsi %parallel_loop3A_188, %parallel_loop3A_193 : vector<16xi32>
      %parallel_loop3A_195 = tpu.vector_load_idx %arg7[%parallel_loop3A_191, %parallel_loop3A_194] : memref<16x200xi32, #tpu.memory_space<vmem>>[vector<16xi32>, vector<16xi32>], vector<16xi32>,
      %parallel_loop3A_196 = tpu.vector_load_idx %arg5[%parallel_loop3A_195] : memref<100000xi32, #tpu.memory_space<vmem>>[vector<16xi32>], vector<16xi32>,
      tpu.vector_store_idx %arg10[%parallel_loop3A_191, %parallel_loop3A_194], %parallel_loop3A_196 : memref<16x200xi32, #tpu.memory_space<vmem>>[vector<16xi32>, vector<16xi32>], vector<16xi32>,
    } {sc.loop_unroll_factor = 8 : i64, sc.parallel_access}
    %add3A_109 = arith.constant 64 : i32
    %add3A_110 = arith.addi %mul3A_2, %add3A_109 : i32
    %dma_start3A_111 = arith.constant 0 : i32
    %dma_start3A_112 = tpu.memref_slice %arg4[%add3A_110, %dma_start3A_111] : memref<4096x200xi32, #tpu.memory_space<hbm>> -> memref<16x200xi32, #tpu.memory_space<hbm>>
    %dma_start3A_113 = arith.constant 0 : i32
    %dma_start3A_114 = tpu.memref_slice %arg4[%add3A_110, %dma_start3A_113] : memref<4096x200xi32, #tpu.memory_space<hbm>> -> memref<16x200xi32, #tpu.memory_space<hbm>>
    tpu.enqueue_dma source(%arg10 : memref<16x200xi32, #tpu.memory_space<vmem>>) target(%dma_start3A_114 : memref<16x200xi32, #tpu.memory_space<hbm>>) target_semaphore(%arg17 : memref<!tpu.dma_semaphore, #tpu.memory_space<semaphore_mem>>)
    %add3A_115 = arith.constant 112 : i32
    %add3A_116 = arith.addi %mul3A_2, %add3A_115 : i32
    %dma_start3A_117 = arith.constant 0 : i32
    %dma_start3A_118 = tpu.memref_slice %arg2[%add3A_116, %dma_start3A_117] : memref<4096x200xi32, #tpu.memory_space<hbm>> -> memref<16x200xi32, #tpu.memory_space<hbm>>
    %dma_start3A_119 = arith.constant 0 : i32
    %dma_start3A_120 = tpu.memref_slice %arg2[%add3A_116, %dma_start3A_119] : memref<4096x200xi32, #tpu.memory_space<hbm>> -> memref<16x200xi32, #tpu.memory_space<hbm>>
    tpu.enqueue_dma source(%dma_start3A_120 : memref<16x200xi32, #tpu.memory_space<hbm>>) target(%arg7 : memref<16x200xi32, #tpu.memory_space<vmem>>) target_semaphore(%arg14 : memref<!tpu.dma_semaphore, #tpu.memory_space<semaphore_mem>>)
    %dma_wait3A_121 = arith.constant 0 : i32
    %dma_wait3A_122 = tpu.memref_slice %arg2[%add3A_70, %dma_wait3A_121] : memref<4096x200xi32, #tpu.memory_space<hbm>> -> memref<16x200xi32, #tpu.memory_space<hbm>>
    %dma_wait3A_123 = arith.constant 0 : i32
    %dma_wait3A_124 = tpu.memref_slice %arg2[%add3A_70, %dma_wait3A_123] : memref<4096x200xi32, #tpu.memory_space<hbm>> -> memref<16x200xi32, #tpu.memory_space<hbm>>
    tpu.wait_dma2 semaphore(%arg15 : memref<!tpu.dma_semaphore, #tpu.memory_space<semaphore_mem>>) src(%dma_wait3A_124 : memref<16x200xi32, #tpu.memory_space<hbm>>) dst(%arg8 : memref<16x200xi32, #tpu.memory_space<vmem>>)
    %dma_wait3A_125 = arith.constant 0 : i32
    %dma_wait3A_126 = tpu.memref_slice %arg4[%add3A_64, %dma_wait3A_125] : memref<4096x200xi32, #tpu.memory_space<hbm>> -> memref<16x200xi32, #tpu.memory_space<hbm>>
    %dma_wait3A_127 = arith.constant 0 : i32
    %dma_wait3A_128 = tpu.memref_slice %arg4[%add3A_64, %dma_wait3A_127] : memref<4096x200xi32, #tpu.memory_space<hbm>> -> memref<16x200xi32, #tpu.memory_space<hbm>>
    tpu.wait_dma2 semaphore(%arg18 : memref<!tpu.dma_semaphore, #tpu.memory_space<semaphore_mem>>) src(%arg11 : memref<16x200xi32, #tpu.memory_space<vmem>>) dst(%dma_wait3A_128 : memref<16x200xi32, #tpu.memory_space<hbm>>)
    %parallel_loop3A_129 = arith.constant 0 : i32
    %parallel_loop3A_130 = arith.constant 200 : i32
    %parallel_loop3A_131 = arith.constant 1 : i32
    scf.for %parallel_loop3A_184 = %parallel_loop3A_129 to %parallel_loop3A_130 step %parallel_loop3A_131  : i32 {
      %parallel_loop3A_185 = arith.constant 16 : i32
      %parallel_loop3A_186 = arith.muli %parallel_loop3A_184, %parallel_loop3A_185 : i32
      %parallel_loop3A_187 = vector.broadcast %parallel_loop3A_186 : i32 to vector<16xi32>
      %parallel_loop3A_188 = arith.addi %parallel_loop3A_187, %iota3A : vector<16xi32>
      %parallel_loop3A_189 = arith.constant 200 : i32
      %parallel_loop3A_190 = vector.broadcast %parallel_loop3A_189 : i32 to vector<16xi32>
      %parallel_loop3A_191 = arith.divsi %parallel_loop3A_188, %parallel_loop3A_190 : vector<16xi32>
      %parallel_loop3A_192 = arith.constant 200 : i32
      %parallel_loop3A_193 = vector.broadcast %parallel_loop3A_192 : i32 to vector<16xi32>
      %parallel_loop3A_194 = arith.remsi %parallel_loop3A_188, %parallel_loop3A_193 : vector<16xi32>
      %parallel_loop3A_195 = tpu.vector_load_idx %arg8[%parallel_loop3A_191, %parallel_loop3A_194] : memref<16x200xi32, #tpu.memory_space<vmem>>[vector<16xi32>, vector<16xi32>], vector<16xi32>,
      %parallel_loop3A_196 = tpu.vector_load_idx %arg5[%parallel_loop3A_195] : memref<100000xi32, #tpu.memory_space<vmem>>[vector<16xi32>], vector<16xi32>,
      tpu.vector_store_idx %arg11[%parallel_loop3A_191, %parallel_loop3A_194], %parallel_loop3A_196 : memref<16x200xi32, #tpu.memory_space<vmem>>[vector<16xi32>, vector<16xi32>], vector<16xi32>,
    } {sc.loop_unroll_factor = 8 : i64, sc.parallel_access}
    %add3A_132 = arith.constant 80 : i32
    %add3A_133 = arith.addi %mul3A_2, %add3A_132 : i32
    %dma_start3A_134 = arith.constant 0 : i32
    %dma_start3A_135 = tpu.memref_slice %arg4[%add3A_133, %dma_start3A_134] : memref<4096x200xi32, #tpu.memory_space<hbm>> -> memref<16x200xi32, #tpu.memory_space<hbm>>
    %dma_start3A_136 = arith.constant 0 : i32
    %dma_start3A_137 = tpu.memref_slice %arg4[%add3A_133, %dma_start3A_136] : memref<4096x200xi32, #tpu.memory_space<hbm>> -> memref<16x200xi32, #tpu.memory_space<hbm>>
    tpu.enqueue_dma source(%arg11 : memref<16x200xi32, #tpu.memory_space<vmem>>) target(%dma_start3A_137 : memref<16x200xi32, #tpu.memory_space<hbm>>) target_semaphore(%arg18 : memref<!tpu.dma_semaphore, #tpu.memory_space<semaphore_mem>>)
    %dma_wait3A_138 = arith.constant 0 : i32
    %dma_wait3A_139 = tpu.memref_slice %arg2[%add3A_93, %dma_wait3A_138] : memref<4096x200xi32, #tpu.memory_space<hbm>> -> memref<16x200xi32, #tpu.memory_space<hbm>>
    %dma_wait3A_140 = arith.constant 0 : i32
    %dma_wait3A_141 = tpu.memref_slice %arg2[%add3A_93, %dma_wait3A_140] : memref<4096x200xi32, #tpu.memory_space<hbm>> -> memref<16x200xi32, #tpu.memory_space<hbm>>
    tpu.wait_dma2 semaphore(%arg13 : memref<!tpu.dma_semaphore, #tpu.memory_space<semaphore_mem>>) src(%dma_wait3A_141 : memref<16x200xi32, #tpu.memory_space<hbm>>) dst(%arg6 : memref<16x200xi32, #tpu.memory_space<vmem>>)
    %dma_wait3A_142 = arith.constant 0 : i32
    %dma_wait3A_143 = tpu.memref_slice %arg4[%add3A_87, %dma_wait3A_142] : memref<4096x200xi32, #tpu.memory_space<hbm>> -> memref<16x200xi32, #tpu.memory_space<hbm>>
    %dma_wait3A_144 = arith.constant 0 : i32
    %dma_wait3A_145 = tpu.memref_slice %arg4[%add3A_87, %dma_wait3A_144] : memref<4096x200xi32, #tpu.memory_space<hbm>> -> memref<16x200xi32, #tpu.memory_space<hbm>>
    tpu.wait_dma2 semaphore(%arg16 : memref<!tpu.dma_semaphore, #tpu.memory_space<semaphore_mem>>) src(%arg9 : memref<16x200xi32, #tpu.memory_space<vmem>>) dst(%dma_wait3A_145 : memref<16x200xi32, #tpu.memory_space<hbm>>)
    %parallel_loop3A_146 = arith.constant 0 : i32
    %parallel_loop3A_147 = arith.constant 200 : i32
    %parallel_loop3A_148 = arith.constant 1 : i32
    scf.for %parallel_loop3A_184 = %parallel_loop3A_146 to %parallel_loop3A_147 step %parallel_loop3A_148  : i32 {
      %parallel_loop3A_185 = arith.constant 16 : i32
      %parallel_loop3A_186 = arith.muli %parallel_loop3A_184, %parallel_loop3A_185 : i32
      %parallel_loop3A_187 = vector.broadcast %parallel_loop3A_186 : i32 to vector<16xi32>
      %parallel_loop3A_188 = arith.addi %parallel_loop3A_187, %iota3A : vector<16xi32>
      %parallel_loop3A_189 = arith.constant 200 : i32
      %parallel_loop3A_190 = vector.broadcast %parallel_loop3A_189 : i32 to vector<16xi32>
      %parallel_loop3A_191 = arith.divsi %parallel_loop3A_188, %parallel_loop3A_190 : vector<16xi32>
      %parallel_loop3A_192 = arith.constant 200 : i32
      %parallel_loop3A_193 = vector.broadcast %parallel_loop3A_192 : i32 to vector<16xi32>
      %parallel_loop3A_194 = arith.remsi %parallel_loop3A_188, %parallel_loop3A_193 : vector<16xi32>
      %parallel_loop3A_195 = tpu.vector_load_idx %arg6[%parallel_loop3A_191, %parallel_loop3A_194] : memref<16x200xi32, #tpu.memory_space<vmem>>[vector<16xi32>, vector<16xi32>], vector<16xi32>,
      %parallel_loop3A_196 = tpu.vector_load_idx %arg5[%parallel_loop3A_195] : memref<100000xi32, #tpu.memory_space<vmem>>[vector<16xi32>], vector<16xi32>,
      tpu.vector_store_idx %arg9[%parallel_loop3A_191, %parallel_loop3A_194], %parallel_loop3A_196 : memref<16x200xi32, #tpu.memory_space<vmem>>[vector<16xi32>, vector<16xi32>], vector<16xi32>,
    } {sc.loop_unroll_factor = 8 : i64, sc.parallel_access}
    %add3A_149 = arith.constant 96 : i32
    %add3A_150 = arith.addi %mul3A_2, %add3A_149 : i32
    %dma_start3A_151 = arith.constant 0 : i32
    %dma_start3A_152 = tpu.memref_slice %arg4[%add3A_150, %dma_start3A_151] : memref<4096x200xi32, #tpu.memory_space<hbm>> -> memref<16x200xi32, #tpu.memory_space<hbm>>
    %dma_start3A_153 = arith.constant 0 : i32
    %dma_start3A_154 = tpu.memref_slice %arg4[%add3A_150, %dma_start3A_153] : memref<4096x200xi32, #tpu.memory_space<hbm>> -> memref<16x200xi32, #tpu.memory_space<hbm>>
    tpu.enqueue_dma source(%arg9 : memref<16x200xi32, #tpu.memory_space<vmem>>) target(%dma_start3A_154 : memref<16x200xi32, #tpu.memory_space<hbm>>) target_semaphore(%arg16 : memref<!tpu.dma_semaphore, #tpu.memory_space<semaphore_mem>>)
    %dma_wait3A_155 = arith.constant 0 : i32
    %dma_wait3A_156 = tpu.memref_slice %arg2[%add3A_116, %dma_wait3A_155] : memref<4096x200xi32, #tpu.memory_space<hbm>> -> memref<16x200xi32, #tpu.memory_space<hbm>>
    %dma_wait3A_157 = arith.constant 0 : i32
    %dma_wait3A_158 = tpu.memref_slice %arg2[%add3A_116, %dma_wait3A_157] : memref<4096x200xi32, #tpu.memory_space<hbm>> -> memref<16x200xi32, #tpu.memory_space<hbm>>
    tpu.wait_dma2 semaphore(%arg14 : memref<!tpu.dma_semaphore, #tpu.memory_space<semaphore_mem>>) src(%dma_wait3A_158 : memref<16x200xi32, #tpu.memory_space<hbm>>) dst(%arg7 : memref<16x200xi32, #tpu.memory_space<vmem>>)
    %dma_wait3A_159 = arith.constant 0 : i32
    %dma_wait3A_160 = tpu.memref_slice %arg4[%add3A_110, %dma_wait3A_159] : memref<4096x200xi32, #tpu.memory_space<hbm>> -> memref<16x200xi32, #tpu.memory_space<hbm>>
    %dma_wait3A_161 = arith.constant 0 : i32
    %dma_wait3A_162 = tpu.memref_slice %arg4[%add3A_110, %dma_wait3A_161] : memref<4096x200xi32, #tpu.memory_space<hbm>> -> memref<16x200xi32, #tpu.memory_space<hbm>>
    tpu.wait_dma2 semaphore(%arg17 : memref<!tpu.dma_semaphore, #tpu.memory_space<semaphore_mem>>) src(%arg10 : memref<16x200xi32, #tpu.memory_space<vmem>>) dst(%dma_wait3A_162 : memref<16x200xi32, #tpu.memory_space<hbm>>)
    %parallel_loop3A_163 = arith.constant 0 : i32
    %parallel_loop3A_164 = arith.constant 200 : i32
    %parallel_loop3A_165 = arith.constant 1 : i32
    scf.for %parallel_loop3A_184 = %parallel_loop3A_163 to %parallel_loop3A_164 step %parallel_loop3A_165  : i32 {
      %parallel_loop3A_185 = arith.constant 16 : i32
      %parallel_loop3A_186 = arith.muli %parallel_loop3A_184, %parallel_loop3A_185 : i32
      %parallel_loop3A_187 = vector.broadcast %parallel_loop3A_186 : i32 to vector<16xi32>
      %parallel_loop3A_188 = arith.addi %parallel_loop3A_187, %iota3A : vector<16xi32>
      %parallel_loop3A_189 = arith.constant 200 : i32
      %parallel_loop3A_190 = vector.broadcast %parallel_loop3A_189 : i32 to vector<16xi32>
      %parallel_loop3A_191 = arith.divsi %parallel_loop3A_188, %parallel_loop3A_190 : vector<16xi32>
      %parallel_loop3A_192 = arith.constant 200 : i32
      %parallel_loop3A_193 = vector.broadcast %parallel_loop3A_192 : i32 to vector<16xi32>
      %parallel_loop3A_194 = arith.remsi %parallel_loop3A_188, %parallel_loop3A_193 : vector<16xi32>
      %parallel_loop3A_195 = tpu.vector_load_idx %arg7[%parallel_loop3A_191, %parallel_loop3A_194] : memref<16x200xi32, #tpu.memory_space<vmem>>[vector<16xi32>, vector<16xi32>], vector<16xi32>,
      %parallel_loop3A_196 = tpu.vector_load_idx %arg5[%parallel_loop3A_195] : memref<100000xi32, #tpu.memory_space<vmem>>[vector<16xi32>], vector<16xi32>,
      tpu.vector_store_idx %arg10[%parallel_loop3A_191, %parallel_loop3A_194], %parallel_loop3A_196 : memref<16x200xi32, #tpu.memory_space<vmem>>[vector<16xi32>, vector<16xi32>], vector<16xi32>,
    } {sc.loop_unroll_factor = 8 : i64, sc.parallel_access}
    %add3A_166 = arith.constant 112 : i32
    %add3A_167 = arith.addi %mul3A_2, %add3A_166 : i32
    %dma_start3A_168 = arith.constant 0 : i32
    %dma_start3A_169 = tpu.memref_slice %arg4[%add3A_167, %dma_start3A_168] : memref<4096x200xi32, #tpu.memory_space<hbm>> -> memref<16x200xi32, #tpu.memory_space<hbm>>
    %dma_start3A_170 = arith.constant 0 : i32
    %dma_start3A_171 = tpu.memref_slice %arg4[%add3A_167, %dma_start3A_170] : memref<4096x200xi32, #tpu.memory_space<hbm>> -> memref<16x200xi32, #tpu.memory_space<hbm>>
    tpu.enqueue_dma source(%arg10 : memref<16x200xi32, #tpu.memory_space<vmem>>) target(%dma_start3A_171 : memref<16x200xi32, #tpu.memory_space<hbm>>) target_semaphore(%arg17 : memref<!tpu.dma_semaphore, #tpu.memory_space<semaphore_mem>>)
    %dma_wait3A_172 = arith.constant 0 : i32
    %dma_wait3A_173 = tpu.memref_slice %arg4[%add3A_150, %dma_wait3A_172] : memref<4096x200xi32, #tpu.memory_space<hbm>> -> memref<16x200xi32, #tpu.memory_space<hbm>>
    %dma_wait3A_174 = arith.constant 0 : i32
    %dma_wait3A_175 = tpu.memref_slice %arg4[%add3A_150, %dma_wait3A_174] : memref<4096x200xi32, #tpu.memory_space<hbm>> -> memref<16x200xi32, #tpu.memory_space<hbm>>
    tpu.wait_dma2 semaphore(%arg16 : memref<!tpu.dma_semaphore, #tpu.memory_space<semaphore_mem>>) src(%arg9 : memref<16x200xi32, #tpu.memory_space<vmem>>) dst(%dma_wait3A_175 : memref<16x200xi32, #tpu.memory_space<hbm>>)
    %dma_wait3A_176 = arith.constant 0 : i32
    %dma_wait3A_177 = tpu.memref_slice %arg4[%add3A_167, %dma_wait3A_176] : memref<4096x200xi32, #tpu.memory_space<hbm>> -> memref<16x200xi32, #tpu.memory_space<hbm>>
    %dma_wait3A_178 = arith.constant 0 : i32
    %dma_wait3A_179 = tpu.memref_slice %arg4[%add3A_167, %dma_wait3A_178] : memref<4096x200xi32, #tpu.memory_space<hbm>> -> memref<16x200xi32, #tpu.memory_space<hbm>>
    tpu.wait_dma2 semaphore(%arg17 : memref<!tpu.dma_semaphore, #tpu.memory_space<semaphore_mem>>) src(%arg10 : memref<16x200xi32, #tpu.memory_space<vmem>>) dst(%dma_wait3A_179 : memref<16x200xi32, #tpu.memory_space<hbm>>)
    %dma_wait3A_180 = arith.constant 0 : i32
    %dma_wait3A_181 = tpu.memref_slice %arg4[%add3A_133, %dma_wait3A_180] : memref<4096x200xi32, #tpu.memory_space<hbm>> -> memref<16x200xi32, #tpu.memory_space<hbm>>
    %dma_wait3A_182 = arith.constant 0 : i32
    %dma_wait3A_183 = tpu.memref_slice %arg4[%add3A_133, %dma_wait3A_182] : memref<4096x200xi32, #tpu.memory_space<hbm>> -> memref<16x200xi32, #tpu.memory_space<hbm>>
    tpu.wait_dma2 semaphore(%arg18 : memref<!tpu.dma_semaphore, #tpu.memory_space<semaphore_mem>>) src(%arg11 : memref<16x200xi32, #tpu.memory_space<vmem>>) dst(%dma_wait3A_183 : memref<16x200xi32, #tpu.memory_space<hbm>>)
    return
  }
}

module attributes {stable_mosaic.version = 14 : i64} {
  func.func @_delta_body(%arg0: memref<4096x200xf32, #tpu.memory_space<vmem>>, %arg1: memref<4096x200xf32, #tpu.memory_space<vmem>>) attributes {dimension_semantics = [], scalar_prefetch = 0 : i64, scratch_operands = 0 : i64, tpu.core_type = #tpu.core_type<tc>} {
    %get3A = arith.constant 0 : index
    %get3A_0 = arith.constant 0 : index
    %get3A_1 = vector.load %arg0[%get3A, %get3A_0] : memref<4096x200xf32, #tpu.memory_space<vmem>>, vector<4096x200xf32>
    %slice3A = vector.extract_strided_slice %get3A_1 {offsets = [0, 0], sizes = [4096, 1], strides = [1, 1]} : vector<4096x200xf32> to vector<4096x1xf32>
    %slice3A_2 = vector.extract_strided_slice %get3A_1 {offsets = [0, 0], sizes = [4096, 199], strides = [1, 1]} : vector<4096x200xf32> to vector<4096x199xf32>
    %concatenate3A = tpu.concatenate %slice3A, %slice3A_2 in 1 : vector<4096x1xf32>, vector<4096x199xf32> -> vector<4096x200xf32>
    %sub3A = arith.subf %get3A_1, %concatenate3A : vector<4096x200xf32>
    %swap3A = arith.constant 0 : index
    %swap3A_3 = arith.constant 0 : index
    %swap3A_4 = vector.load %arg1[%swap3A, %swap3A_3] : memref<4096x200xf32, #tpu.memory_space<vmem>>, vector<4096x200xf32>
    tpu.vector_store %arg1[%swap3A, %swap3A_3], %sub3A {strides = array<i32>} : memref<4096x200xf32, #tpu.memory_space<vmem>>, vector<4096x200xf32>,
    return
  }
}

</mosaic_0001>

<sc_bundles>
// kernel: kernel.4.cloned.1.call-start
scs
__scs_entry_jumppad:
0x0: {  	(pc) =	sbr.rel $0x88, $3  }
0x1: {  	(tag) =	ssettag $0x0;
	lr =	simm.s32 $0x1  }
0x2: {  	[smem:$0x3F9E] =	sst lr;
	_ =	strace $0xD0000000  }
0x3: {  	_ = 	snop  }
0x4: {  	_ = 	snop  }
0x5: {  	_ = 	snop  }
0x6: {  	_ = 	snop  }
0x7: {  	_ = 	snop  }
__scs_overlays_trampoline_lowered:
0x8: {  	[smem:$0x3FAD] =	sst s0  }
0x9: {  	[smem:$0x3FAE] =	sst s1  }
0xa: {  	[smem:$0x3FAF] =	sst s2  }
0xb: {  	[smem:$0x3FB0] =	sst s3  }
0xc: {  	[smem:$0x3FB1] =	sst s4  }
0xd: {  	[smem:$0x3FB2] =	sst s5  }
0xe: {  	[smem:$0x3FB3] =	sst s6  }
0xf: {  	[smem:$0x3FB4] =	sst s7  }
0x10: {  	[smem:$0x3FB5] =	sst s8  }
0x11: {  	[smem:$0x3FB6] =	sst s9;
	s0 =	simm.s32 @!p0 $0x0  }
0x12: {  	s1 =	sld [smem:$0x3F9C];
	s0 =	simm.s32 @p0 $0x1  }
0x13: {  	[smem:$0x3FB7] =	sst s0;
	s0 =	simm.s32 @!p1 $0x0  }
0x14: {  	s2 =	sld [smem:$0x3F9B];
	s0 =	simm.s32 @p1 $0x1  }
0x15: {  	[smem:$0x3FB8] =	sst s0;
	s0 =	simm.s32 @!p2 $0x0  }
0x16: {  	s3 =	sld [smem:$0x3FDB];
	s0 =	simm.s32 @p2 $0x1  }
0x17: {  	s4 =	simm.s32 $0x1BF5;
	[smem:$0x3FBA] =	sst s0  }
0x18: {  	s0 =	sld [smem:$0x3F9D];
	_ =	swait.ge [sflag:s4], $0x0  }
0x19: {  	s7 =	sld [smem:$0x3F9E]  }
0x1a: {  	s8 =	sadd.s32 $0xFFFFE003, lr  }
0x1b: {  	s9 =	sadd.s32 $0xFFFFFEF7, lr;
	s5 =	simm.s32 $0xFFFFFFFF;
	p2 =	slt.u32 s8, $0xFFFFF086  }
0x1c: {  	p1 =	slt.u32 s9, $0xF7A;
	s5 =	simm.s32 @!p2 $0x0  }
0x1d: {  	s5 =	simm.s32 @p1 $0x1;
	p0 =	seq.s32 s7, s2  }
0x1e: {  	s7 =	smul.u32 @!p0 $0xF7A, s2;
	p2 =	seq.s32 @!p0 s5, $0x0  }
0x1f: {  	s9 =	smul.u32 $0xF7A, s1;
	s8 =	simm.s32 @!p0 $0x1BF5;
	p2 =	por !p2, p0  }
0x20: {  	[sflag:s8] =	ssyncset.s32 @!p0 $0xFFFFF086;
	s6 =	sadd.s32 @!p0 s3, s7;
	s7 =	simm.s32 @!p0 $0x108  }
0x21: {  	s3 =	sadd.s32 s3, s9;
	s6 =	sadd.s32 @!p0 $0x88, s6;
	s7 =	simm.s32 @p2 $0x1082  }
0x22: {  	[simem:s7], [sflag:s8] =	dma.local @!p0 [hbm:s6], $0xF7A  }
0x23: {  	s9 =	sor.u32 $0xD0000000, s2;
	s6 =	simm.s32 $0x108;
	_ =	swait.ge @!p0 [sflag:s8], $0x0  }
0x24: {  	s3 =	sadd.s32 $0x88, s3;
	s6 =	simm.s32 @!p1 $0x1082;
	[sflag:s4] =	ssyncset.s32 $0xFFFFF086  }
0x25: {  	[simem:s6], [sflag:s4] =	dma.local [hbm:s3], $0xF7A  }
0x26: {  	[smem:$0x3F9E] =	sst s1;
	(tag) =	ssettag s2;
	_ =	strace s9  }
0x27: {  	s1 =	sld [smem:$0x3FAE]  }
0x28: {  	s2 =	sld [smem:$0x3FAF]  }
0x29: {  	s4 =	sld [smem:$0x3FB1]  }
0x2a: {  	p0 =	seq.s32 s5, $0x0;
	s5 =	sld [smem:$0x3FB2]  }
0x2b: {  	s6 =	sld [smem:$0x3FB3]  }
0x2c: {  	s7 =	sld [smem:$0x3FB4]  }
0x2d: {  	s3 =	simm.s32 $0x108;
	s8 =	sld [smem:$0x3FB5]  }
0x2e: {  	s3 =	simm.s32 @!p0 $0x1082;
	s9 =	sld [smem:$0x3FB6]  }
0x2f: {  	lr =	sadd.s32 s0, s3;
	s0 =	sld [smem:$0x3FAD]  }
0x30: {  	s3 =	sld [smem:$0x3FB0]  }
0x31: {  	[smem:$0x3FB9] =	sst s10  }
0x32: {  	s10 =	sld [smem:$0x3FB7];
	_ =	sdelay $0x3  }
0x33: {  	p0 =	seq.s32 s10, $0x1;
	s10 =	sld [smem:$0x3FB9];
	_ =	sdelay $0x3  }
0x34: {  	[smem:$0x3FB9] =	sst s10  }
0x35: {  	s10 =	sld [smem:$0x3FB8];
	_ =	sdelay $0x3  }
0x36: {  	p1 =	seq.s32 s10, $0x1;
	s10 =	sld [smem:$0x3FB9];
	_ =	sdelay $0x3  }
0x37: {  	[smem:$0x3FB9] =	sst s10  }
0x38: {  	s10 =	sld [smem:$0x3FBA]  }
0x39: {  	_ = 	snop;
	(pc) =	sbr.ind lr, $3  }
0x3a: {  	_ = 	snop  }
0x3b: {  	_ = 	snop  }
0x3c: {  	p2 =	seq.s32 s10, $0x1;
	s10 =	sld [smem:$0x3FB9]  }
0x3d: {  	_ =	shalt  }
0x3e: {  	_ =	shalt  }
0x3f: {  	_ =	shalt  }
0x40: {  	_ =	shalt  }
0x41: {  	_ =	shalt  }
0x42: {  	_ =	shalt  }
0x43: {  	_ =	shalt  }
0x44: {  	_ =	shalt  }
0x45: {  	_ =	shalt  }
0x46: {  	_ =	shalt  }
0x47: {  	_ =	shalt  }
0x48: {  	_ =	shalt  }
0x49: {  	_ =	shalt  }
0x4a: {  	_ =	shalt  }
0x4b: {  	_ =	shalt  }
0x4c: {  	_ =	shalt  }
0x4d: {  	_ =	shalt  }
0x4e: {  	_ =	shalt  }
0x4f: {  	_ =	shalt  }
0x50: {  	_ =	shalt  }
0x51: {  	_ =	shalt  }
0x52: {  	_ =	shalt  }
0x53: {  	_ =	shalt  }
0x54: {  	_ =	shalt  }
0x55: {  	_ =	shalt  }
0x56: {  	_ =	shalt  }
0x57: {  	_ =	shalt  }
0x58: {  	_ =	shalt  }
0x59: {  	_ =	shalt  }
0x5a: {  	_ =	shalt  }
0x5b: {  	_ =	shalt  }
0x5c: {  	_ =	shalt  }
0x5d: {  	_ =	shalt  }
0x5e: {  	_ =	shalt  }
0x5f: {  	_ =	shalt  }
0x60: {  	_ =	shalt  }
0x61: {  	_ =	shalt  }
0x62: {  	_ =	shalt  }
0x63: {  	_ =	shalt  }
0x64: {  	_ =	shalt  }
0x65: {  	_ =	shalt  }
0x66: {  	_ =	shalt  }
0x67: {  	_ =	shalt  }
0x68: {  	_ =	shalt  }
0x69: {  	_ =	shalt  }
0x6a: {  	_ =	shalt  }
0x6b: {  	_ =	shalt  }
0x6c: {  	_ =	shalt  }
0x6d: {  	_ =	shalt  }
0x6e: {  	_ =	shalt  }
0x6f: {  	_ =	shalt  }
0x70: {  	_ =	shalt  }
0x71: {  	_ =	shalt  }
0x72: {  	_ =	shalt  }
0x73: {  	_ =	shalt  }
0x74: {  	_ =	shalt  }
0x75: {  	_ =	shalt  }
0x76: {  	_ =	shalt  }
0x77: {  	_ =	shalt  }
0x78: {  	_ =	shalt  }
0x79: {  	_ =	shalt  }
0x7a: {  	_ =	shalt  }
0x7b: {  	_ =	shalt  }
0x7c: {  	_ =	shalt  }
0x7d: {  	_ =	shalt  }
0x7e: {  	_ =	shalt  }
0x7f: {  	_ =	shalt  }
0x80: {  	_ =	shalt  }
0x81: {  	_ =	shalt  }
0x82: {  	_ =	shalt  }
0x83: {  	_ =	shalt  }
0x84: {  	_ =	shalt  }
0x85: {  	_ =	shalt  }
0x86: {  	_ =	shalt  }
0x87: {  	_ =	shalt  }
.Lfunc_end0:
.L_simem_size_0:
called_computation_lowered:
.L_overlay_start_0:
0x88: {  	s2 =	sld [smem:$0x3FD9]  }
0x89: {  	s3 =	sld [smem:$0x3FFE];
	_ =	sdelay $0x1  }
0x8a: {  	s1 =	srdreg.scid  }
0x8b: {  	s0 =	sand.u32 $0x1, s1  }
0x8c: {  	s17 =	sshll.u32 s0, $0xA;
	s2 =	sadd.s32 s3, s2  }
0x8d: {  	s2 =	sadd.s32 s2, s17  }
0x8e: {  	[smem:$0x3FC5] =	sst s2  }
0x8f: {  	_ = 	snop  }
0x90: {  	s2 =	sld [smem:$0x3FC7];
	(tm) =	ssettm $0x1  }
0x91: {  	s18 =	sld [smem:$0x3FFB];
	_ =	sdelay $0x3  }
0x92: {  	_ =	strace s18  }
0x93: {  	s3 =	sld [smem:$0x3FFC];
	_ =	sdelay $0x3  }
0x94: {  	_ =	strace s3  }
0x95: {  	s3 =	sld [smem:$0x3FFD];
	_ =	sdelay $0x3  }
0x96: {  	_ =	strace s3  }
0x97: {  	_ =	strace $0x8FFFFFFF  }
0x98: {  	s19 =	sld [smem:$0x3FDB];
	_ =	sdelay $0x1  }
0x99: {  	s4 =	simm.s32 $_scs_section_size  }
0x9a: {  	s5 =	simm.s32 $_size__tile_overlayer_lowered;
	s6 =	simm.s32 $_tile_overlayer_lowered  }
0x9b: {  	s22 =	simm.s32 $0x1BFF;
	s21 =	sshll.u32 s6, $0x1;
	s3 =	sadd.s32 s4, s19  }
0x9c: {  	s7 =	simm.s32 $0x0;
	s20 =	sshll.u32 s5, $0x1;
	s5 =	sadd.s32 s21, s3  }
0x9d: {  	[timem:s7], [sflag:s22] =	dma.local [hbm:s5], s20  }
0x9e: {  	_ =	swait.ge [sflag:s22], s20  }
0x9f: {  	s4 =	ssub.s32 $0x0, s20;
	[sflag:s22] =	ssyncset.done $0x0  }
0xa0: {  	[sflag:s22] =	ssyncadd.s32 s4;
	_ =	sdelay $0x1  }
0xa1: {  	s23 =	simm.s32 $0x1B8B  }
0xa2: {  	_ =	swait.ge [sflag:s23], $0x1  }
0xa3: {  	[sflag:s23] =	ssyncset.done $0x0  }
0xa4: {  	s25 =	simm.s32 $0x1B8E;
	s24 =	sld [smem:$0x3FFE];
	[sflag:s23] =	ssyncadd.s32 $0xFFFFFFFF  }
0xa5: {  	s26 =	simm.s32 $execute0_lowered;
	[smem:$0x3FD2] =	sst s25  }
0xa6: {  	s5 =	sshll.u32 s26, $0x1;
	_ =	strace $0x80000046;
	[dreg:$0x1] =	wrdreg $0xFFFFFFFF  }
0xa7: {  	s28 =	simm.s32 $_size_execute0_lowered;
	s3 =	sadd.s32 s3, s5;
	[dreg:$0x0] =	wrdreg $0x0  }
0xa8: {  	s5 =	sshll.u32 s28, $0x1;
	[dreg:$0x2] =	wrdreg s3  }
0xa9: {  	[dreg:$0x3] =	wrdreg s5  }
0xaa: {  	[dreg:$0x4] =	wrdreg $0xC0  }
0xab: {  	_ =	task [dreg:s7], $0x5FFFF  }
0xac: {  	[dreg:$0x1] =	wrdreg $0xFFFFFFFF  }
0xad: {  	[dreg:$0x0] =	wrdreg $0x60  }
0xae: {  	[dreg:$0x2] =	wrdreg s24  }
0xaf: {  	[dreg:$0x3] =	wrdreg s2  }
0xb0: {  	[dreg:$0x4] =	wrdreg $0x9  }
0xb1: {  	_ =	task.clear_ibuf [dreg:s7], $0x5FFFF;
	_ =	strace $0x90000046  }
0xb2: {  	s29 =	simm.s32 $0x9;
	_ =	strace $0x80000048  }
0xb3: {  	_ =	swait.ge [sflag:s29], $0x1  }
0xb4: {  	[sflag:s29] =	ssyncadd.s32 $0xFFFFFFFF  }
0xb5: {  	_ =	strace $0x90000048  }
0xb6: {  	_ =	sfence  }
0xb7: {  	s30 =	sld [smem:$0x0];
	_ =	sdelay $0x2  }
0xb8: {  	s31 =	sshll.u32 s1, $0xD;
	s1 =	sshrl.u32 s1, $0x2  }
0xb9: {  	s3 =	sand.u32 $0x4000, s31;
	s1 =	sadd.s32 s1, s30  }
0xba: {  	s0 =	sor.u32 s3, s0;
	s1 =	sshll.u32 s1, $0x11  }
0xbb: {  	s0 =	sor.u32 s1, s0  }
0xbc: {  	s0 =	sadd.s32 $0x8F2B, s0  }
0xbd: {  	[sflag:s0] =	ssyncadd.remote.s32 $0x1  }
0xbe: {  	_ =	sfence.sel $0xFFFF  }
0xbf: {  	[dreg:$0x0] =	wrdreg $0xFFFFFFFF;
	(pc) =	sbr.abs _section_cstart, $3  }
0xc0: {  	[dreg:$0x1] =	wrdreg $0xFFFFFFFF  }
0xc1: {  	_ =	task.clear_ibuf [dreg:s7], $0x2FFFF;
	_ =	strace $0x9FFFFFFF  }
0xc2: {  	(tm) =	ssettm $0x7FFFFFFF  }
0xc3: {  	_ =	shalt  }
tec
execute0_lowered:
.L_overlay_start_1:
0x0: {  	(tag) =	ssettag $0x1  }
0x1: {  	s0 =	rddreg [dreg:$0x0];
	s2 =	simm.s32 $0x0  }
0x2: {  	s1 =	srdreg.scid;
	s5 =	stileid.u32;
	s28 =	simm.s32 $0x3  }
0x3: {  	s29 =	simm.s32 $0x1C700;
	s30 =	simm.s32 $0x4;
	s31 =	simm.s32 $0x1D700  }
0x4: {  	[smem:$0x7FF] =	sst s2;
	s3 =	sadd.s32 $0x600, s0;
	s1 =	sand.u32 $0x1, s1  }
0x5: {  	s5 =	sshll.u32 s5, $0xD;
	s4 =	ssub.s32 $0x2, s1;
	s1 =	sshll.u32 s1, $0xC  }
0x6: {  	s0 =	sadd.s32 $0x20600, s0;
	s6 =	sshrl.u32 s4, $0x1;
	s1 =	sor.u32 s1, s5  }
0x7: {  	_ =	strace $0x80000047;
	s4 =	ssub.s32 s4, s6;
	s5 =	sadd.s32 s3, s1  }
0x8: {  	s20 =	sor.u32 $0x200, s1;
	s22 =	sor.u32 $0x400, s1;
	s13 =	sor.u32 $0x600, s1  }
0x9: {  	s23 =	sadd.s32 s0, s1;
	s25 =	sor.u32 $0x800, s1;
	s17 =	sor.u32 $0xA00, s1  }
0xa: {  	s26 =	sor.u32 $0xC00, s1;
	s1 =	sor.u32 $0xE00, s1;
	[dreg:$0x3] =	wrdreg s5  }
0xb: {  	s21 =	sadd.s32 s3, s20;
	s7 =	sadd.s32 s3, s22;
	[dreg:$0x6] =	wrdreg s23  }
0xc: {  	s24 =	sadd.s32 s3, s13;
	s5 =	sadd.s32 s0, s20;
	s10 =	sadd.s32 s3, s25  }
0xd: {  	s11 =	sadd.s32 s0, s22;
	s12 =	sadd.s32 s3, s17;
	s13 =	sadd.s32 s0, s13  }
0xe: {  	s14 =	sadd.s32 s3, s26;
	s15 =	sadd.s32 s0, s25;
	s16 =	sadd.s32 s3, s1  }
0xf: {  	s17 =	sadd.s32 s0, s17;
	s18 =	sadd.s32 s0, s26;
	s19 =	sadd.s32 s0, s1  }
0x10: {  	s20 =	smax.u32 s4, $0x1;
	s22 =	simm.s32 $0x19700;
	s23 =	simm.s32 $0x1A700  }
0x11: {  	s25 =	simm.s32 $0x1;
	s26 =	simm.s32 $0x1B700;
	[dreg:$0x4] =	wrdreg s21  }
0x12: {  	s0 =	simm.s32 $0x5;
	s3 =	simm.s32 $0x6;
	[dreg:$0x5] =	wrdreg s7  }
0x13: {  	s1 =	simm.s32 $0x7;
	s4 =	simm.s32 $0x0;
	[dreg:$0x7] =	wrdreg s24  }
0x14: {  	v0 =	vlaneseq.u32;
	[dreg:$0x8] =	wrdreg s5;
	s21 =	simm.s32 $0x18700;
	s24 =	simm.s32 $0x2  }
.LBB2_1:
0x15: {  	s5 =	simm.s32 $0x70  }
0x16: {  	s7 =	simm.s32 $0x60;
	v1 =	vor.u32 s5, v0  }
0x17: {  	s6 =	simm.s32 $0x10;
	v3 =	vor.u32 s7, v0;
	v4 =	vmulhi.u32 $0x51EB851F, v1  }
0x18: {  	s8 =	simm.s32 $0x20;
	v2 =	vor.u32 s6, v0;
	v7 =	vmulhi.u32 $0x51EB851F, v3  }
0x19: {  	s9 =	simm.s32 $0x30;
	v5 =	vor.u32 s8, v0;
	v14 =	vmulhi.u32 $0x51EB851F, v2  }
0x1a: {  	s7 =	simm.s32 $0x0;
	v6 =	vor.u32 s9, v0;
	v17 =	vmulhi.u32 $0x51EB851F, v5  }
0x1b: {  	s8 =	simm.s32 $0x40;
	v8 =	vor.u32 s7, v0;
	v19 =	vmulhi.u32 $0x51EB851F, v6  }
0x1c: {  	s9 =	simm.s32 $0x50;
	v9 =	vor.u32 s8, v0;
	v11 =	vmulhi.u32 $0x51EB851F, v8  }
0x1d: {  	v10 =	vor.u32 s9, v0;
	v20 =	vmulhi.u32 $0x51EB851F, v9  }
0x1e: {  	v41 =	vmulhi.u32 $0x51EB851F, v10  }
0x1f: {  	v12 =	vshrl.u32 v7, $0x6;
	v13 =	vshrl.u32 v4, $0x6;
	v18 =	vshrl.u32 v14, $0x6  }
0x20: {  	v40 =	vshrl.u32 v17, $0x6;
	v22 =	vshll.u32 v7, $0x2;
	v7 =	vshll.u32 v7, $0x1  }
0x21: {  	v42 =	vshrl.u32 v19, $0x6;
	v24 =	vshll.u32 v14, $0x2;
	v26 =	vshll.u32 v17, $0x2  }
0x22: {  	v27 =	vshll.u32 v19, $0x2;
	v29 =	vshll.u32 v4, $0x2;
	v14 =	vshll.u32 v14, $0x1  }
0x23: {  	v17 =	vshll.u32 v17, $0x1;
	v19 =	vshll.u32 v19, $0x1;
	v58 =	vshll.u32 v4, $0x1  }
0x24: {  	v12 =	vmul.u32 $0xFFFFFF38, v12;
	v13 =	vmul.u32 $0xFFFFFF38, v13;
	v15 =	vshrl.u32 v11, $0x6  }
0x25: {  	s6 =	rddreg [dreg:$0x1];
	v16 =	vshll.u32 v11, $0x2;
	v22 =	vand.u32 $0x7FFFF800, v22;
	v7 =	vand.u32 $0x380, v7  }
0x26: {  	[tilespmem:s2], [sflag:$0x1] =	stream.linear.gather [hbm4b:s6+s2], $0x18700, $0x38;
	v23 =	vshrl.u32 v20, $0x6;
	v43 =	vmul.u32 $0xFFFFFF38, v18;
	v44 =	vshrl.u32 v41, $0x6;
	[tilespmem:$0x1E700] =	vst v63  }
0x27: {  	s7 =	rddreg [dreg:$0x3];
	v28 =	vshll.u32 v20, $0x2;
	v51 =	vshll.u32 v41, $0x2;
	v52 =	vand.u32 $0x7FFFF800, v24  }
0x28: {  	[tilespmem:s21], [sflag:$0x2] =	stream.linear.gather [hbm4b:s7+s2], $0x1000, $0x38;
	v53 =	vand.u32 $0x7FFFF800, v26;
	v54 =	vand.u32 $0x7FFFF800, v27;
	v11 =	vshll.u32 v11, $0x1;
	[tilespmem:$0x1E700] =	vst v63  }
0x29: {  	s8 =	rddreg [dreg:$0x4];
	v20 =	vshll.u32 v20, $0x1;
	v57 =	vand.u32 $0x7FFFF800, v29;
	v3 =	vadd.s32 v3, v12  }
0x2a: {  	v4 =	vand.u32 $0x380, v14;
	v62 =	vand.u32 $0x380, v19;
	[tilespmem:s22], [sflag:$0x3] =	stream.linear.gather [hbm4b:s8+s2], $0x1000, $0x38;
	v21 =	vshll.u32 v3, $0x3;
	[tilespmem:$0x1E700] =	vst v63  }
0x2b: {  	s9 =	rddreg [dreg:$0x5];
	v23 =	vmul.u32 $0xFFFFFF38, v23;
	v3 =	vand.u32 $0x7F, v3;
	v21 =	vand.u32 $0x400, v21  }
0x2c: {  	v55 =	vand.u32 $0x7FFFF800, v28;
	v63 =	vand.u32 $0x380, v20;
	[tilespmem:s23], [sflag:$0x4] =	stream.linear.gather [hbm4b:s9+s2], $0x1000, $0x38;
	v3 =	vor.u32 v3, v21;
	[tilespmem:$0x1E700] =	vst v63  }
0x2d: {  	v12 =	vmul.u32 $0xFFFFFF38, v40;
	v2 =	vadd.s32 v2, v43;
	_ =	swait.ge [sflag:s24], $0x1000;
	v3 =	vor.u32 v22, v3  }
0x2e: {  	v1 =	vadd.s32 v1, v13;
	v9 =	vadd.s32 v9, v23;
	[sflag:s24] =	ssyncset.done $0x0;
	v3 =	vor.u32 v7, v3  }
0x2f: {  	v50 =	vshll.u32 v1, $0x3;
	v1 =	vand.u32 $0x7F, v1;
	v5 =	vadd.s32 v5, v12;
	[sflag:s24] =	ssyncadd.s32 $0xFFFFF000  }
0x30: {  	v48 =	vshll.u32 v9, $0x3;
	v9 =	vand.u32 $0x7F, v9;
	v23 =	vand.u32 $0x400, v50;
	_ =	swait.ge [sflag:s25], $0x18700  }
0x31: {  	v46 =	vshll.u32 v5, $0x3;
	v18 =	vand.u32 $0x400, v48;
	v5 =	vand.u32 $0x7F, v5;
	[sflag:s25] =	ssyncset.done $0x0  }
0x32: {  	v1 =	vor.u32 v1, v23;
	v21 =	vshll.u32 v41, $0x1;
	v22 =	vmul.u32 $0xFFFFFF38, v42;
	[sflag:s25] =	ssyncadd.s32 $0xFFFE7900  }
0x33: {  	v13 =	vand.u32 $0x400, v46;
	v9 =	vor.u32 v9, v18;
	v7 =	vmul.u32 $0xFFFFFF38, v15;
	v25 =	vld.idx.msk [tilespmem:v3+s21+$0x0], $0xffff  }
0x34: {  	v5 =	vor.u32 v5, v13;
	v61 =	vor.u32 v55, v9;
	v9 =	vand.u32 $0x380, v58  }
0x35: {  	v6 =	vadd.s32 v6, v22;
	v59 =	vor.u32 v53, v5;
	v7 =	vadd.s32 v8, v7  }
0x36: {  	v8 =	vmul.u32 $0xFFFFFF38, v44;
	v47 =	vshll.u32 v6, $0x3;
	v6 =	vand.u32 $0x7F, v6  }
0x37: {  	v45 =	vshll.u32 v7, $0x3;
	v15 =	vand.u32 $0x400, v47;
	v7 =	vand.u32 $0x7F, v7  }
0x38: {  	v8 =	vadd.s32 v10, v8;
	v10 =	vshll.u32 v2, $0x3;
	v12 =	vand.u32 $0x400, v45  }
0x39: {  	v2 =	vand.u32 $0x7F, v2;
	v6 =	vor.u32 v6, v15;
	v49 =	vshll.u32 v8, $0x3  }
0x3a: {  	v10 =	vand.u32 $0x400, v10;
	v8 =	vand.u32 $0x7F, v8;
	v7 =	vor.u32 v7, v12  }
0x3b: {  	v12 =	vand.u32 $0x7FFFF800, v51;
	v60 =	vor.u32 v54, v6;
	v6 =	vor.u32 v57, v1;
	v56 =	vld.idx.msk [tilespmem:v25+s2+$0x0], $0xffff  }
0x3c: {  	v1 =	vand.u32 $0x380, v11;
	v11 =	vand.u32 $0x380, v17;
	v22 =	vand.u32 $0x400, v49  }
0x3d: {  	v2 =	vor.u32 v2, v10;
	v10 =	vand.u32 $0x7FFFF800, v16;
	v8 =	vor.u32 v8, v22  }
0x3e: {  	v10 =	vor.u32 v10, v7;
	v2 =	vor.u32 v52, v2;
	v7 =	vor.u32 v12, v8  }
0x3f: {  	v5 =	vor.u32 v1, v10;
	v4 =	vor.u32 v4, v2;
	v2 =	vor.u32 v62, v60  }
0x40: {  	s5 =	simm.s32 $0x0;
	s6 =	simm.s32 $0xF0;
	v8 =	vand.u32 $0x380, v21;
	v1 =	vor.u32 v63, v61;
	[tilespmem:v3+s26+$0x0] =	vst.idx.msk $0xffff, v56;
	v3 =	vor.u32 v11, v59  }
.LBB2_2:
0x41: {  	s7 =	sadd.s32 $0xFFFFFFA0, s6;
	s8 =	sadd.s32 $0xFFFFFFF0, s6;
	v10 =	vor.u32 s6, v0;
	s5 =	sadd.s32 $0x8, s5;
	v8 =	vor.u32 v8, v7;
	v9 =	vor.u32 v9, v6  }
0x42: {  	s9 =	sadd.s32 $0xFFFFFFC0, s6;
	v11 =	vor.u32 s7, v0;
	s7 =	sadd.s32 $0xFFFFFFB0, s6;
	v12 =	vor.u32 s8, v0;
	v6 =	vmulhi.u32 $0x51EB851F, v10;
	p0 =	slt.u32 s5, $0xC0  }
0x43: {  	s8 =	sadd.s32 $0xFFFFFF90, s6;
	v14 =	vor.u32 s9, v0;
	s9 =	sadd.s32 $0xFFFFFFE0, s6;
	v13 =	vor.u32 s7, v0;
	s7 =	sadd.s32 $0xFFFFFFD0, s6;
	v15 =	vmulhi.u32 $0x51EB851F, v12  }
0x44: {  	v16 =	vor.u32 s8, v0;
	v18 =	vor.u32 s9, v0;
	v17 =	vor.u32 s7, v0;
	v19 =	vld.idx.msk [tilespmem:v5+s21+$0x0], $0xffff  }
0x45: {  	v7 =	vmulhi.u32 $0x51EB851F, v16;
	v21 =	vshrl.u32 v6, $0x6;
	v20 =	vshrl.u32 v15, $0x6;
	v22 =	vld.idx.msk [tilespmem:v4+s21+$0x0], $0xffff  }
0x46: {  	v23 =	vmulhi.u32 $0x51EB851F, v11;
	v21 =	vmul.u32 $0xFFFFFF38, v21;
	v20 =	vmul.u32 $0xFFFFFF38, v20;
	v24 =	vld.idx.msk [tilespmem:v3+s21+$0x0], $0xffff  }
0x47: {  	v27 =	vmulhi.u32 $0x51EB851F, v13;
	v25 =	vshrl.u32 v7, $0x6;
	v26 =	vshll.u32 v7, $0x2;
	v28 =	vld.idx.msk [tilespmem:v2+s21+$0x0], $0xffff  }
0x48: {  	v30 =	vmulhi.u32 $0x51EB851F, v14;
	v29 =	vshrl.u32 v23, $0x6;
	v12 =	vadd.s32 v12, v20;
	v20 =	vld.idx.msk [tilespmem:v1+s21+$0x0], $0xffff  }
0x49: {  	v32 =	vmulhi.u32 $0x51EB851F, v17;
	v31 =	vshrl.u32 v27, $0x6;
	v33 =	vshll.u32 v12, $0x3;
	v34 =	vld.idx.msk [tilespmem:v8+s21+$0x0], $0xffff  }
0x4a: {  	v35 =	vshll.u32 v15, $0x2;
	v12 =	vand.u32 $0x7F, v12;
	v33 =	vand.u32 $0x400, v33;
	v36 =	vld.idx.msk [tilespmem:v9+s21+$0x0], $0xffff  }
0x4b: {  	v15 =	vshll.u32 v15, $0x1;
	v35 =	vand.u32 $0x7FFFF800, v35;
	v12 =	vor.u32 v12, v33  }
0x4c: {  	v15 =	vand.u32 $0x380, v15;
	v33 =	vmulhi.u32 $0x51EB851F, v18;
	v12 =	vor.u32 v35, v12;
	v19 =	vld.idx.msk [tilespmem:v19+s2+$0x0], $0xffff  }
0x4d: {  	v37 =	vshrl.u32 v32, $0x6;
	v35 =	vshrl.u32 v30, $0x6;
	v12 =	vor.u32 v15, v12;
	v15 =	vld.idx.msk [tilespmem:v22+s2+$0x0], $0xffff  }
0x4e: {  	v22 =	vmul.u32 $0xFFFFFF38, v25;
	v25 =	vmul.u32 $0xFFFFFF38, v29;
	v29 =	vshrl.u32 v33, $0x6;
	v24 =	vld.idx.msk [tilespmem:v24+s2+$0x0], $0xffff  }
0x4f: {  	v31 =	vmul.u32 $0xFFFFFF38, v31;
	v37 =	vmul.u32 $0xFFFFFF38, v37;
	v35 =	vmul.u32 $0xFFFFFF38, v35;
	v28 =	vld.idx.msk [tilespmem:v28+s2+$0x0], $0xffff  }
0x50: {  	v16 =	vadd.s32 v16, v22;
	v11 =	vadd.s32 v11, v25;
	v22 =	vmul.u32 $0xFFFFFF38, v29;
	v20 =	vld.idx.msk [tilespmem:v20+s2+$0x0], $0xffff  }
0x51: {  	v13 =	vadd.s32 v13, v31;
	v17 =	vadd.s32 v17, v37;
	v14 =	vadd.s32 v14, v35;
	v25 =	vld.idx.msk [tilespmem:v34+s2+$0x0], $0xffff  }
0x52: {  	v10 =	vadd.s32 v10, v21;
	v29 =	vshll.u32 v16, $0x3;
	v18 =	vadd.s32 v18, v22;
	v22 =	vld.idx.msk [tilespmem:v12+s21+$0x0], $0xffff  }
0x53: {  	v31 =	vshll.u32 v13, $0x3;
	v21 =	vshll.u32 v11, $0x3;
	v34 =	vshll.u32 v14, $0x3;
	[tilespmem:v5+s26+$0x0] =	vst.idx.msk $0xffff, v19;
	v5 =	vld.idx.msk [tilespmem:v36+s2+$0x0], $0xffff  }
0x54: {  	v35 =	vshll.u32 v18, $0x3;
	v19 =	vshll.u32 v17, $0x3;
	v36 =	vshll.u32 v10, $0x3;
	[tilespmem:v4+s26+$0x0] =	vst.idx.msk $0xffff, v15  }
0x55: {  	v4 =	vand.u32 $0x400, v29;
	v15 =	vand.u32 $0x400, v21;
	v21 =	vand.u32 $0x400, v31;
	[tilespmem:v3+s26+$0x0] =	vst.idx.msk $0xffff, v24  }
0x56: {  	v19 =	vand.u32 $0x400, v19;
	v3 =	vand.u32 $0x400, v34;
	v24 =	vand.u32 $0x400, v35;
	[tilespmem:v2+s26+$0x0] =	vst.idx.msk $0xffff, v28  }
0x57: {  	v13 =	vand.u32 $0x7F, v13;
	v11 =	vand.u32 $0x7F, v11;
	v2 =	vand.u32 $0x7F, v16;
	[tilespmem:v1+s26+$0x0] =	vst.idx.msk $0xffff, v20  }
0x58: {  	v16 =	vand.u32 $0x7F, v18;
	v1 =	vand.u32 $0x7F, v14;
	v14 =	vand.u32 $0x7F, v17;
	[tilespmem:v8+s26+$0x0] =	vst.idx.msk $0xffff, v25  }
0x59: {  	v10 =	vand.u32 $0x7F, v10;
	v17 =	vand.u32 $0x400, v36;
	v8 =	vshll.u32 v23, $0x2;
	[tilespmem:v9+s26+$0x0] =	vst.idx.msk $0xffff, v5  }
0x5a: {  	v18 =	vshll.u32 v32, $0x2;
	v5 =	vshll.u32 v27, $0x2;
	v9 =	vshll.u32 v30, $0x2;
	v20 =	vld.idx.msk [tilespmem:v22+s2+$0x0], $0xffff  }
0x5b: {  	v2 =	vor.u32 v2, v4;
	v4 =	vshll.u32 v33, $0x2;
	v22 =	vshll.u32 v6, $0x2  }
0x5c: {  	v11 =	vor.u32 v11, v15;
	v13 =	vor.u32 v13, v21;
	v1 =	vor.u32 v1, v3  }
0x5d: {  	v3 =	vor.u32 v14, v19;
	v14 =	vor.u32 v16, v24;
	v10 =	vor.u32 v10, v17  }
0x5e: {  	v15 =	vand.u32 $0x7FFFF800, v26;
	v8 =	vand.u32 $0x7FFFF800, v8;
	v5 =	vand.u32 $0x7FFFF800, v5  }
0x5f: {  	v16 =	vand.u32 $0x7FFFF800, v18;
	v4 =	vand.u32 $0x7FFFF800, v4;
	v9 =	vand.u32 $0x7FFFF800, v9  }
0x60: {  	v17 =	vshll.u32 v7, $0x1;
	v18 =	vshll.u32 v23, $0x1;
	v19 =	vshll.u32 v27, $0x1;
	[tilespmem:v12+s26+$0x0] =	vst.idx.msk $0xffff, v20  }
0x61: {  	v21 =	vshll.u32 v33, $0x1;
	v12 =	vshll.u32 v30, $0x1;
	v20 =	vshll.u32 v32, $0x1  }
0x62: {  	v2 =	vor.u32 v15, v2;
	v15 =	vand.u32 $0x7FFFF800, v22;
	v22 =	vshll.u32 v6, $0x1  }
0x63: {  	v11 =	vor.u32 v8, v11;
	v13 =	vor.u32 v5, v13;
	v1 =	vor.u32 v9, v1  }
.Ltmp0:
0x64: {  	v16 =	vor.u32 v16, v3;
	v7 =	vor.u32 v4, v14;
	v6 =	vor.u32 v15, v10;
	(pc) =	sbr.rel @p0 .LBB2_2-.Ltmp0, $4  }
0x65: {  	v3 =	vand.u32 $0x380, v17;
	v4 =	vand.u32 $0x380, v18;
	v10 =	vand.u32 $0x380, v19  }
0x66: {  	v8 =	vand.u32 $0x380, v21;
	v12 =	vand.u32 $0x380, v12;
	v14 =	vand.u32 $0x380, v20  }
0x67: {  	v5 =	vor.u32 v3, v2;
	v4 =	vor.u32 v4, v11;
	v9 =	vand.u32 $0x380, v22  }
0x68: {  	s6 =	sadd.s32 $0x80, s6;
	v3 =	vor.u32 v10, v13;
	v2 =	vor.u32 v12, v1;
	v1 =	vor.u32 v14, v16  }
0x69: {  	_ =	sdelay $0x2  }
0x6a: {  	s5 =	simm.s32 $0x60  }
0x6b: {  	v7 =	vor.u32 v8, v7;
	v8 =	vld.idx.msk [tilespmem:v4+s21+$0x0], $0xffff;
	s6 =	simm.s32 $0x70;
	v11 =	vor.u32 s5, v0  }
0x6c: {  	v6 =	vor.u32 v9, v6;
	v9 =	vld.idx.msk [tilespmem:v3+s21+$0x0], $0xffff;
	s9 =	simm.s32 $0x0;
	v13 =	vor.u32 s6, v0;
	v15 =	vmulhi.u32 $0x51EB851F, v11  }
0x6d: {  	v10 =	vld.idx.msk [tilespmem:v5+s21+$0x0], $0xffff;
	s7 =	simm.s32 $0x10;
	v20 =	vor.u32 s9, v0;
	v17 =	vmulhi.u32 $0x51EB851F, v13  }
0x6e: {  	v12 =	vld.idx.msk [tilespmem:v2+s21+$0x0], $0xffff;
	s8 =	simm.s32 $0x30;
	v14 =	vor.u32 s7, v0;
	v24 =	vmulhi.u32 $0x51EB851F, v20  }
0x6f: {  	v16 =	vld.idx.msk [tilespmem:v1+s21+$0x0], $0xffff;
	s7 =	simm.s32 $0x20;
	v19 =	vor.u32 s8, v0;
	v28 =	vmulhi.u32 $0x51EB851F, v14  }
0x70: {  	s6 =	simm.s32 $0x40;
	v18 =	vor.u32 s7, v0;
	v33 =	vmulhi.u32 $0x51EB851F, v19;
	v23 =	vld.idx.msk [tilespmem:v7+s21+$0x0], $0xffff  }
0x71: {  	v21 =	vor.u32 s6, v0;
	s7 =	simm.s32 $0x50;
	v63 =	vmulhi.u32 $0x51EB851F, v18;
	v26 =	vld.idx.msk [tilespmem:v6+s21+$0x0], $0xffff  }
0x72: {  	v27 =	vor.u32 s7, v0;
	v36 =	vmulhi.u32 $0x51EB851F, v21;
	v22 =	vshrl.u32 v15, $0x6  }
0x73: {  	v25 =	vshrl.u32 v17, $0x6;
	v29 =	vshrl.u32 v24, $0x6;
	v30 =	vshll.u32 v24, $0x2;
	v8 =	vld.idx.msk [tilespmem:v8+s2+$0x0], $0xffff  }
0x74: {  	v31 =	vshrl.u32 v28, $0x6;
	v35 =	vshll.u32 v15, $0x2;
	v15 =	vshll.u32 v15, $0x1;
	v9 =	vld.idx.msk [tilespmem:v9+s2+$0x0], $0xffff  }
0x75: {  	v45 =	vshll.u32 v28, $0x2;
	v48 =	vshll.u32 v33, $0x2;
	v50 =	vshll.u32 v17, $0x2;
	v10 =	vld.idx.msk [tilespmem:v10+s2+$0x0], $0xffff  }
0x76: {  	v55 =	vshll.u32 v24, $0x1;
	v56 =	vshll.u32 v28, $0x1;
	v58 =	vshll.u32 v33, $0x1;
	v12 =	vld.idx.msk [tilespmem:v12+s2+$0x0], $0xffff  }
0x77: {  	v17 =	vshll.u32 v17, $0x1;
	v22 =	vmul.u32 $0xFFFFFF38, v22;
	v25 =	vmul.u32 $0xFFFFFF38, v25;
	v16 =	vld.idx.msk [tilespmem:v16+s2+$0x0], $0xffff  }
0x78: {  	v34 =	vshrl.u32 v63, $0x6;
	v35 =	vand.u32 $0x7FFFF800, v35;
	v37 =	vmul.u32 $0xFFFFFF38, v31;
	[tilespmem:v4+s26+$0x0] =	vst.idx.msk $0xffff, v8;
	v4 =	vld.idx.msk [tilespmem:v23+s2+$0x0], $0xffff  }
0x79: {  	v47 =	vshll.u32 v63, $0x2;
	v49 =	vshll.u32 v36, $0x2;
	v51 =	vand.u32 $0x7FFFF800, v45;
	[tilespmem:v3+s26+$0x0] =	vst.idx.msk $0xffff, v9;
	v3 =	vld.idx.msk [tilespmem:v26+s2+$0x0], $0xffff  }
0x7a: {  	v53 =	vand.u32 $0x7FFFF800, v48;
	v57 =	vshll.u32 v63, $0x1;
	v11 =	vadd.s32 v11, v22;
	[tilespmem:v5+s26+$0x0] =	vst.idx.msk $0xffff, v10  }
0x7b: {  	v59 =	vshll.u32 v36, $0x1;
	v62 =	vand.u32 $0x380, v58;
	v32 =	vshll.u32 v11, $0x3;
	[tilespmem:v2+s26+$0x0] =	vst.idx.msk $0xffff, v12  }
0x7c: {  	v52 =	vand.u32 $0x7FFFF800, v47;
	v11 =	vand.u32 $0x7F, v11;
	v32 =	vand.u32 $0x400, v32;
	[tilespmem:v1+s26+$0x0] =	vst.idx.msk $0xffff, v16  }
0x7d: {  	v54 =	vand.u32 $0x7FFFF800, v49;
	v40 =	vadd.s32 v13, v25;
	v11 =	vor.u32 v11, v32;
	[tilespmem:v7+s26+$0x0] =	vst.idx.msk $0xffff, v4  }
0x7e: {  	v63 =	vand.u32 $0x380, v59;
	v44 =	vshll.u32 v40, $0x3;
	v5 =	vor.u32 v35, v11;
	[tilespmem:v6+s26+$0x0] =	vst.idx.msk $0xffff, v3  }
0x7f: {  	v10 =	vmulhi.u32 $0x51EB851F, v27;
	v11 =	vand.u32 $0x380, v15;
	v8 =	vshrl.u32 v33, $0x6;
	s8 =	rddreg [dreg:$0x6]  }
0x80: {  	v9 =	vmul.u32 $0xFFFFFF38, v29;
	v2 =	vmul.u32 $0xFFFFFF38, v34;
	v12 =	vand.u32 $0x7F, v40;
	[hbm4b:s8+s2] =	stream.linear.scatter [tilespmem:s26], [sflag:$0x5], $0x1000, $0x38;
	[tilespmem:$0x1E700] =	vst v63  }
0x81: {  	v16 =	vand.u32 $0x400, v44;
	v5 =	vor.u32 v11, v5;
	v11 =	vshrl.u32 v36, $0x6;
	s9 =	rddreg [dreg:$0x7]  }
0x82: {  	v8 =	vmul.u32 $0xFFFFFF38, v8;
	v38 =	vshrl.u32 v10, $0x6;
	v11 =	vmul.u32 $0xFFFFFF38, v11;
	[tilespmem:s21], [sflag:$0x2] =	stream.linear.gather [hbm4b:s9+s2], $0x1000, $0x38;
	[tilespmem:$0x1E700] =	vst v63  }
0x83: {  	v1 =	vadd.s32 v20, v9;
	v9 =	vadd.s32 v14, v37;
	v2 =	vadd.s32 v18, v2;
	_ =	swait.ge [sflag:s28], $0x1000  }
0x84: {  	v39 =	vmul.u32 $0xFFFFFF38, v38;
	v8 =	vadd.s32 v19, v8;
	v11 =	vadd.s32 v21, v11;
	[sflag:s28] =	ssyncset.done $0x0  }
0x85: {  	v41 =	vshll.u32 v8, $0x3;
	v8 =	vand.u32 $0x7F, v8;
	v4 =	vshll.u32 v1, $0x3;
	[sflag:s28] =	ssyncadd.s32 $0xFFFFF000  }
0x86: {  	v7 =	vadd.s32 v27, v39;
	v3 =	vshll.u32 v9, $0x3;
	v6 =	vshll.u32 v2, $0x3;
	v46 =	vld.idx.msk [tilespmem:v5+s22+$0x0], $0xffff  }
0x87: {  	v42 =	vshll.u32 v11, $0x3;
	v13 =	vand.u32 $0x400, v41;
	v1 =	vand.u32 $0x7F, v1  }
0x88: {  	v9 =	vand.u32 $0x7F, v9;
	v2 =	vand.u32 $0x7F, v2;
	v11 =	vand.u32 $0x7F, v11  }
0x89: {  	v43 =	vshll.u32 v7, $0x3;
	v4 =	vand.u32 $0x400, v4;
	v3 =	vand.u32 $0x400, v3  }
0x8a: {  	v6 =	vand.u32 $0x400, v6;
	v14 =	vand.u32 $0x400, v42;
	v7 =	vand.u32 $0x7F, v7  }
0x8b: {  	v15 =	vand.u32 $0x400, v43;
	v1 =	vor.u32 v1, v4;
	v4 =	vshll.u32 v10, $0x2  }
0x8c: {  	v3 =	vor.u32 v9, v3;
	v2 =	vor.u32 v2, v6;
	v6 =	vor.u32 v8, v13  }
0x8d: {  	v8 =	vor.u32 v11, v14;
	v9 =	vor.u32 v12, v16;
	v11 =	vand.u32 $0x7FFFF800, v30  }
0x8e: {  	v10 =	vshll.u32 v10, $0x1;
	v7 =	vor.u32 v7, v15;
	v4 =	vand.u32 $0x7FFFF800, v4;
	v19 =	vld.idx.msk [tilespmem:v46+s2+$0x0], $0xffff  }
0x8f: {  	v1 =	vor.u32 v11, v1;
	v11 =	vand.u32 $0x7FFFF800, v50;
	v3 =	vor.u32 v51, v3  }
0x90: {  	v2 =	vor.u32 v52, v2;
	v60 =	vor.u32 v53, v6;
	v61 =	vor.u32 v54, v8  }
0x91: {  	v8 =	vand.u32 $0x380, v10;
	v7 =	vor.u32 v4, v7;
	v6 =	vor.u32 v11, v9  }
0x92: {  	v4 =	vand.u32 $0x380, v55;
	v9 =	vand.u32 $0x380, v56;
	v11 =	vand.u32 $0x380, v57  }
0x93: {  	[tilespmem:v5+s29+$0x0] =	vst.idx.msk $0xffff, v19;
	v5 =	vor.u32 v4, v1;
	v4 =	vor.u32 v9, v3;
	v9 =	vand.u32 $0x380, v17  }
0x94: {  	s5 =	simm.s32 $0x0;
	s6 =	simm.s32 $0xF0;
	v3 =	vor.u32 v11, v2;
	v2 =	vor.u32 v62, v60;
	v1 =	vor.u32 v63, v61  }
.LBB2_4:
0x95: {  	s7 =	sadd.s32 $0xFFFFFFA0, s6;
	s8 =	sadd.s32 $0xFFFFFFF0, s6;
	v10 =	vor.u32 s6, v0;
	s5 =	sadd.s32 $0x8, s5;
	v8 =	vor.u32 v8, v7;
	v9 =	vor.u32 v9, v6  }
0x96: {  	s9 =	sadd.s32 $0xFFFFFFC0, s6;
	v11 =	vor.u32 s7, v0;
	s7 =	sadd.s32 $0xFFFFFFB0, s6;
	v12 =	vor.u32 s8, v0;
	v6 =	vmulhi.u32 $0x51EB851F, v10;
	p0 =	slt.u32 s5, $0xC0  }
0x97: {  	s8 =	sadd.s32 $0xFFFFFF90, s6;
	v14 =	vor.u32 s9, v0;
	s9 =	sadd.s32 $0xFFFFFFE0, s6;
	v13 =	vor.u32 s7, v0;
	s7 =	sadd.s32 $0xFFFFFFD0, s6;
	v15 =	vmulhi.u32 $0x51EB851F, v12  }
0x98: {  	v16 =	vor.u32 s8, v0;
	v18 =	vor.u32 s9, v0;
	v17 =	vor.u32 s7, v0;
	v19 =	vld.idx.msk [tilespmem:v5+s22+$0x0], $0xffff  }
0x99: {  	v7 =	vmulhi.u32 $0x51EB851F, v16;
	v21 =	vshrl.u32 v6, $0x6;
	v20 =	vshrl.u32 v15, $0x6;
	v22 =	vld.idx.msk [tilespmem:v4+s22+$0x0], $0xffff  }
0x9a: {  	v23 =	vmulhi.u32 $0x51EB851F, v11;
	v21 =	vmul.u32 $0xFFFFFF38, v21;
	v20 =	vmul.u32 $0xFFFFFF38, v20;
	v24 =	vld.idx.msk [tilespmem:v3+s22+$0x0], $0xffff  }
0x9b: {  	v27 =	vmulhi.u32 $0x51EB851F, v13;
	v25 =	vshrl.u32 v7, $0x6;
	v26 =	vshll.u32 v7, $0x2;
	v28 =	vld.idx.msk [tilespmem:v2+s22+$0x0], $0xffff  }
0x9c: {  	v30 =	vmulhi.u32 $0x51EB851F, v14;
	v29 =	vshrl.u32 v23, $0x6;
	v12 =	vadd.s32 v12, v20;
	v20 =	vld.idx.msk [tilespmem:v1+s22+$0x0], $0xffff  }
0x9d: {  	v32 =	vmulhi.u32 $0x51EB851F, v17;
	v31 =	vshrl.u32 v27, $0x6;
	v33 =	vshll.u32 v12, $0x3;
	v34 =	vld.idx.msk [tilespmem:v8+s22+$0x0], $0xffff  }
0x9e: {  	v35 =	vshll.u32 v15, $0x2;
	v12 =	vand.u32 $0x7F, v12;
	v33 =	vand.u32 $0x400, v33;
	v36 =	vld.idx.msk [tilespmem:v9+s22+$0x0], $0xffff  }
0x9f: {  	v15 =	vshll.u32 v15, $0x1;
	v35 =	vand.u32 $0x7FFFF800, v35;
	v12 =	vor.u32 v12, v33  }
0xa0: {  	v15 =	vand.u32 $0x380, v15;
	v33 =	vmulhi.u32 $0x51EB851F, v18;
	v12 =	vor.u32 v35, v12;
	v19 =	vld.idx.msk [tilespmem:v19+s2+$0x0], $0xffff  }
0xa1: {  	v37 =	vshrl.u32 v32, $0x6;
	v35 =	vshrl.u32 v30, $0x6;
	v12 =	vor.u32 v15, v12;
	v15 =	vld.idx.msk [tilespmem:v22+s2+$0x0], $0xffff  }
0xa2: {  	v22 =	vmul.u32 $0xFFFFFF38, v25;
	v25 =	vmul.u32 $0xFFFFFF38, v29;
	v29 =	vshrl.u32 v33, $0x6;
	v24 =	vld.idx.msk [tilespmem:v24+s2+$0x0], $0xffff  }
0xa3: {  	v31 =	vmul.u32 $0xFFFFFF38, v31;
	v37 =	vmul.u32 $0xFFFFFF38, v37;
	v35 =	vmul.u32 $0xFFFFFF38, v35;
	v28 =	vld.idx.msk [tilespmem:v28+s2+$0x0], $0xffff  }
0xa4: {  	v16 =	vadd.s32 v16, v22;
	v11 =	vadd.s32 v11, v25;
	v22 =	vmul.u32 $0xFFFFFF38, v29;
	v20 =	vld.idx.msk [tilespmem:v20+s2+$0x0], $0xffff  }
0xa5: {  	v13 =	vadd.s32 v13, v31;
	v17 =	vadd.s32 v17, v37;
	v14 =	vadd.s32 v14, v35;
	v25 =	vld.idx.msk [tilespmem:v34+s2+$0x0], $0xffff  }
0xa6: {  	v10 =	vadd.s32 v10, v21;
	v29 =	vshll.u32 v16, $0x3;
	v18 =	vadd.s32 v18, v22;
	v22 =	vld.idx.msk [tilespmem:v12+s22+$0x0], $0xffff  }
0xa7: {  	v31 =	vshll.u32 v13, $0x3;
	v21 =	vshll.u32 v11, $0x3;
	v34 =	vshll.u32 v14, $0x3;
	[tilespmem:v5+s29+$0x0] =	vst.idx.msk $0xffff, v19;
	v5 =	vld.idx.msk [tilespmem:v36+s2+$0x0], $0xffff  }
0xa8: {  	v35 =	vshll.u32 v18, $0x3;
	v19 =	vshll.u32 v17, $0x3;
	v36 =	vshll.u32 v10, $0x3;
	[tilespmem:v4+s29+$0x0] =	vst.idx.msk $0xffff, v15  }
0xa9: {  	v4 =	vand.u32 $0x400, v29;
	v15 =	vand.u32 $0x400, v21;
	v21 =	vand.u32 $0x400, v31;
	[tilespmem:v3+s29+$0x0] =	vst.idx.msk $0xffff, v24  }
0xaa: {  	v19 =	vand.u32 $0x400, v19;
	v3 =	vand.u32 $0x400, v34;
	v24 =	vand.u32 $0x400, v35;
	[tilespmem:v2+s29+$0x0] =	vst.idx.msk $0xffff, v28  }
0xab: {  	v13 =	vand.u32 $0x7F, v13;
	v11 =	vand.u32 $0x7F, v11;
	v2 =	vand.u32 $0x7F, v16;
	[tilespmem:v1+s29+$0x0] =	vst.idx.msk $0xffff, v20  }
0xac: {  	v16 =	vand.u32 $0x7F, v18;
	v1 =	vand.u32 $0x7F, v14;
	v14 =	vand.u32 $0x7F, v17;
	[tilespmem:v8+s29+$0x0] =	vst.idx.msk $0xffff, v25  }
0xad: {  	v10 =	vand.u32 $0x7F, v10;
	v17 =	vand.u32 $0x400, v36;
	v8 =	vshll.u32 v23, $0x2;
	[tilespmem:v9+s29+$0x0] =	vst.idx.msk $0xffff, v5  }
0xae: {  	v18 =	vshll.u32 v32, $0x2;
	v5 =	vshll.u32 v27, $0x2;
	v9 =	vshll.u32 v30, $0x2;
	v20 =	vld.idx.msk [tilespmem:v22+s2+$0x0], $0xffff  }
0xaf: {  	v2 =	vor.u32 v2, v4;
	v4 =	vshll.u32 v33, $0x2;
	v22 =	vshll.u32 v6, $0x2  }
0xb0: {  	v11 =	vor.u32 v11, v15;
	v13 =	vor.u32 v13, v21;
	v1 =	vor.u32 v1, v3  }
0xb1: {  	v3 =	vor.u32 v14, v19;
	v14 =	vor.u32 v16, v24;
	v10 =	vor.u32 v10, v17  }
0xb2: {  	v15 =	vand.u32 $0x7FFFF800, v26;
	v8 =	vand.u32 $0x7FFFF800, v8;
	v5 =	vand.u32 $0x7FFFF800, v5  }
0xb3: {  	v16 =	vand.u32 $0x7FFFF800, v18;
	v4 =	vand.u32 $0x7FFFF800, v4;
	v9 =	vand.u32 $0x7FFFF800, v9  }
0xb4: {  	v17 =	vshll.u32 v7, $0x1;
	v18 =	vshll.u32 v23, $0x1;
	v19 =	vshll.u32 v27, $0x1;
	[tilespmem:v12+s29+$0x0] =	vst.idx.msk $0xffff, v20  }
0xb5: {  	v21 =	vshll.u32 v33, $0x1;
	v12 =	vshll.u32 v30, $0x1;
	v20 =	vshll.u32 v32, $0x1  }
0xb6: {  	v2 =	vor.u32 v15, v2;
	v15 =	vand.u32 $0x7FFFF800, v22;
	v22 =	vshll.u32 v6, $0x1  }
0xb7: {  	v11 =	vor.u32 v8, v11;
	v13 =	vor.u32 v5, v13;
	v1 =	vor.u32 v9, v1  }
.Ltmp1:
0xb8: {  	v16 =	vor.u32 v16, v3;
	v7 =	vor.u32 v4, v14;
	v6 =	vor.u32 v15, v10;
	(pc) =	sbr.rel @p0 .LBB2_4-.Ltmp1, $4  }
0xb9: {  	v3 =	vand.u32 $0x380, v17;
	v4 =	vand.u32 $0x380, v18;
	v10 =	vand.u32 $0x380, v19  }
0xba: {  	v8 =	vand.u32 $0x380, v21;
	v12 =	vand.u32 $0x380, v12;
	v14 =	vand.u32 $0x380, v20  }
0xbb: {  	v5 =	vor.u32 v3, v2;
	v4 =	vor.u32 v4, v11;
	v9 =	vand.u32 $0x380, v22  }
0xbc: {  	s6 =	sadd.s32 $0x80, s6;
	v3 =	vor.u32 v10, v13;
	v2 =	vor.u32 v12, v1;
	v1 =	vor.u32 v14, v16  }
0xbd: {  	_ =	sdelay $0x2  }
0xbe: {  	s5 =	simm.s32 $0x60  }
0xbf: {  	v7 =	vor.u32 v8, v7;
	v8 =	vld.idx.msk [tilespmem:v4+s22+$0x0], $0xffff;
	s6 =	simm.s32 $0x70;
	v11 =	vor.u32 s5, v0  }
0xc0: {  	v6 =	vor.u32 v9, v6;
	v9 =	vld.idx.msk [tilespmem:v3+s22+$0x0], $0xffff;
	s9 =	simm.s32 $0x0;
	v13 =	vor.u32 s6, v0;
	v15 =	vmulhi.u32 $0x51EB851F, v11  }
0xc1: {  	v10 =	vld.idx.msk [tilespmem:v5+s22+$0x0], $0xffff;
	s7 =	simm.s32 $0x10;
	v20 =	vor.u32 s9, v0;
	v17 =	vmulhi.u32 $0x51EB851F, v13  }
0xc2: {  	v12 =	vld.idx.msk [tilespmem:v2+s22+$0x0], $0xffff;
	s8 =	simm.s32 $0x30;
	v14 =	vor.u32 s7, v0;
	v24 =	vmulhi.u32 $0x51EB851F, v20  }
0xc3: {  	v16 =	vld.idx.msk [tilespmem:v1+s22+$0x0], $0xffff;
	s7 =	simm.s32 $0x20;
	v19 =	vor.u32 s8, v0;
	v28 =	vmulhi.u32 $0x51EB851F, v14  }
0xc4: {  	s6 =	simm.s32 $0x40;
	v18 =	vor.u32 s7, v0;
	v33 =	vmulhi.u32 $0x51EB851F, v19;
	v23 =	vld.idx.msk [tilespmem:v7+s22+$0x0], $0xffff  }
0xc5: {  	s8 =	simm.s32 $0x50;
	v21 =	vor.u32 s6, v0;
	v63 =	vmulhi.u32 $0x51EB851F, v18;
	v26 =	vld.idx.msk [tilespmem:v6+s22+$0x0], $0xffff  }
0xc6: {  	v27 =	vor.u32 s8, v0;
	v36 =	vmulhi.u32 $0x51EB851F, v21;
	v22 =	vshrl.u32 v15, $0x6  }
0xc7: {  	v25 =	vshrl.u32 v17, $0x6;
	v29 =	vshrl.u32 v24, $0x6;
	v30 =	vshll.u32 v24, $0x2;
	v8 =	vld.idx.msk [tilespmem:v8+s2+$0x0], $0xffff  }
0xc8: {  	v31 =	vshrl.u32 v28, $0x6;
	v35 =	vshll.u32 v15, $0x2;
	v15 =	vshll.u32 v15, $0x1;
	v9 =	vld.idx.msk [tilespmem:v9+s2+$0x0], $0xffff  }
0xc9: {  	v45 =	vshll.u32 v28, $0x2;
	v48 =	vshll.u32 v33, $0x2;
	v50 =	vshll.u32 v17, $0x2;
	v10 =	vld.idx.msk [tilespmem:v10+s2+$0x0], $0xffff  }
0xca: {  	v55 =	vshll.u32 v24, $0x1;
	v56 =	vshll.u32 v28, $0x1;
	v58 =	vshll.u32 v33, $0x1;
	v12 =	vld.idx.msk [tilespmem:v12+s2+$0x0], $0xffff  }
0xcb: {  	v17 =	vshll.u32 v17, $0x1;
	v22 =	vmul.u32 $0xFFFFFF38, v22;
	v25 =	vmul.u32 $0xFFFFFF38, v25;
	v16 =	vld.idx.msk [tilespmem:v16+s2+$0x0], $0xffff  }
0xcc: {  	v34 =	vshrl.u32 v63, $0x6;
	v35 =	vand.u32 $0x7FFFF800, v35;
	v37 =	vmul.u32 $0xFFFFFF38, v31;
	[tilespmem:v4+s29+$0x0] =	vst.idx.msk $0xffff, v8;
	v4 =	vld.idx.msk [tilespmem:v23+s2+$0x0], $0xffff  }
0xcd: {  	v47 =	vshll.u32 v63, $0x2;
	v49 =	vshll.u32 v36, $0x2;
	v51 =	vand.u32 $0x7FFFF800, v45;
	[tilespmem:v3+s29+$0x0] =	vst.idx.msk $0xffff, v9;
	v3 =	vld.idx.msk [tilespmem:v26+s2+$0x0], $0xffff  }
0xce: {  	v53 =	vand.u32 $0x7FFFF800, v48;
	v57 =	vshll.u32 v63, $0x1;
	v11 =	vadd.s32 v11, v22;
	[tilespmem:v5+s29+$0x0] =	vst.idx.msk $0xffff, v10  }
0xcf: {  	v59 =	vshll.u32 v36, $0x1;
	v62 =	vand.u32 $0x380, v58;
	v32 =	vshll.u32 v11, $0x3;
	[tilespmem:v2+s29+$0x0] =	vst.idx.msk $0xffff, v12  }
0xd0: {  	v52 =	vand.u32 $0x7FFFF800, v47;
	v11 =	vand.u32 $0x7F, v11;
	v32 =	vand.u32 $0x400, v32;
	[tilespmem:v1+s29+$0x0] =	vst.idx.msk $0xffff, v16  }
0xd1: {  	v54 =	vand.u32 $0x7FFFF800, v49;
	v40 =	vadd.s32 v13, v25;
	v11 =	vor.u32 v11, v32;
	[tilespmem:v7+s29+$0x0] =	vst.idx.msk $0xffff, v4  }
0xd2: {  	v63 =	vand.u32 $0x380, v59;
	v44 =	vshll.u32 v40, $0x3;
	v5 =	vor.u32 v35, v11;
	[tilespmem:v6+s29+$0x0] =	vst.idx.msk $0xffff, v3  }
0xd3: {  	v10 =	vmulhi.u32 $0x51EB851F, v27;
	v11 =	vand.u32 $0x380, v15;
	v8 =	vshrl.u32 v33, $0x6;
	s9 =	rddreg [dreg:$0x8]  }
0xd4: {  	v9 =	vmul.u32 $0xFFFFFF38, v29;
	v2 =	vmul.u32 $0xFFFFFF38, v34;
	v12 =	vand.u32 $0x7F, v40;
	[hbm4b:s9+s2] =	stream.linear.scatter [tilespmem:s29], [sflag:$0x6], $0x1000, $0x38;
	[tilespmem:$0x1E700] =	vst v63  }
0xd5: {  	v16 =	vand.u32 $0x400, v44;
	v5 =	vor.u32 v11, v5;
	v11 =	vshrl.u32 v36, $0x6  }
0xd6: {  	v8 =	vmul.u32 $0xFFFFFF38, v8;
	v38 =	vshrl.u32 v10, $0x6;
	v11 =	vmul.u32 $0xFFFFFF38, v11;
	[tilespmem:s22], [sflag:$0x3] =	stream.linear.gather [hbm4b:s10+s2], $0x1000, $0x38;
	[tilespmem:$0x1E700] =	vst v63  }
0xd7: {  	v1 =	vadd.s32 v20, v9;
	v9 =	vadd.s32 v14, v37;
	v2 =	vadd.s32 v18, v2;
	_ =	swait.ge [sflag:s30], $0x1000  }
0xd8: {  	v39 =	vmul.u32 $0xFFFFFF38, v38;
	v8 =	vadd.s32 v19, v8;
	v11 =	vadd.s32 v21, v11;
	[sflag:s30] =	ssyncset.done $0x0  }
0xd9: {  	v41 =	vshll.u32 v8, $0x3;
	v8 =	vand.u32 $0x7F, v8;
	v4 =	vshll.u32 v1, $0x3;
	[sflag:s30] =	ssyncadd.s32 $0xFFFFF000  }
0xda: {  	v7 =	vadd.s32 v27, v39;
	v3 =	vshll.u32 v9, $0x3;
	v6 =	vshll.u32 v2, $0x3;
	v46 =	vld.idx.msk [tilespmem:v5+s23+$0x0], $0xffff  }
0xdb: {  	v42 =	vshll.u32 v11, $0x3;
	v13 =	vand.u32 $0x400, v41;
	v1 =	vand.u32 $0x7F, v1  }
0xdc: {  	v9 =	vand.u32 $0x7F, v9;
	v2 =	vand.u32 $0x7F, v2;
	v11 =	vand.u32 $0x7F, v11  }
0xdd: {  	v43 =	vshll.u32 v7, $0x3;
	v4 =	vand.u32 $0x400, v4;
	v3 =	vand.u32 $0x400, v3  }
0xde: {  	v6 =	vand.u32 $0x400, v6;
	v14 =	vand.u32 $0x400, v42;
	v7 =	vand.u32 $0x7F, v7  }
0xdf: {  	v15 =	vand.u32 $0x400, v43;
	v1 =	vor.u32 v1, v4;
	v4 =	vshll.u32 v10, $0x2  }
0xe0: {  	v3 =	vor.u32 v9, v3;
	v2 =	vor.u32 v2, v6;
	v6 =	vor.u32 v8, v13  }
0xe1: {  	v8 =	vor.u32 v11, v14;
	v9 =	vor.u32 v12, v16;
	v11 =	vand.u32 $0x7FFFF800, v30  }
0xe2: {  	v10 =	vshll.u32 v10, $0x1;
	v7 =	vor.u32 v7, v15;
	v4 =	vand.u32 $0x7FFFF800, v4;
	v19 =	vld.idx.msk [tilespmem:v46+s2+$0x0], $0xffff  }
0xe3: {  	v1 =	vor.u32 v11, v1;
	v11 =	vand.u32 $0x7FFFF800, v50;
	v3 =	vor.u32 v51, v3  }
0xe4: {  	v2 =	vor.u32 v52, v2;
	v60 =	vor.u32 v53, v6;
	v61 =	vor.u32 v54, v8  }
0xe5: {  	v8 =	vand.u32 $0x380, v10;
	v7 =	vor.u32 v4, v7;
	v6 =	vor.u32 v11, v9  }
0xe6: {  	v4 =	vand.u32 $0x380, v55;
	v9 =	vand.u32 $0x380, v56;
	v11 =	vand.u32 $0x380, v57  }
0xe7: {  	[tilespmem:v5+s31+$0x0] =	vst.idx.msk $0xffff, v19;
	v5 =	vor.u32 v4, v1;
	v4 =	vor.u32 v9, v3;
	v9 =	vand.u32 $0x380, v17  }
0xe8: {  	s5 =	simm.s32 $0x0;
	s6 =	simm.s32 $0xF0;
	v3 =	vor.u32 v11, v2;
	v2 =	vor.u32 v62, v60;
	v1 =	vor.u32 v63, v61  }
.LBB2_6:
0xe9: {  	s7 =	sadd.s32 $0xFFFFFFA0, s6;
	s8 =	sadd.s32 $0xFFFFFFF0, s6;
	v10 =	vor.u32 s6, v0;
	s5 =	sadd.s32 $0x8, s5;
	v8 =	vor.u32 v8, v7;
	v9 =	vor.u32 v9, v6  }
0xea: {  	s9 =	sadd.s32 $0xFFFFFFC0, s6;
	v11 =	vor.u32 s7, v0;
	s7 =	sadd.s32 $0xFFFFFFB0, s6;
	v12 =	vor.u32 s8, v0;
	v6 =	vmulhi.u32 $0x51EB851F, v10;
	p0 =	slt.u32 s5, $0xC0  }
0xeb: {  	s8 =	sadd.s32 $0xFFFFFF90, s6;
	v14 =	vor.u32 s9, v0;
	s9 =	sadd.s32 $0xFFFFFFE0, s6;
	v13 =	vor.u32 s7, v0;
	s7 =	sadd.s32 $0xFFFFFFD0, s6;
	v15 =	vmulhi.u32 $0x51EB851F, v12  }
0xec: {  	v16 =	vor.u32 s8, v0;
	v18 =	vor.u32 s9, v0;
	v17 =	vor.u32 s7, v0;
	v19 =	vld.idx.msk [tilespmem:v5+s23+$0x0], $0xffff  }
0xed: {  	v7 =	vmulhi.u32 $0x51EB851F, v16;
	v21 =	vshrl.u32 v6, $0x6;
	v20 =	vshrl.u32 v15, $0x6;
	v22 =	vld.idx.msk [tilespmem:v4+s23+$0x0], $0xffff  }
0xee: {  	v23 =	vmulhi.u32 $0x51EB851F, v11;
	v21 =	vmul.u32 $0xFFFFFF38, v21;
	v20 =	vmul.u32 $0xFFFFFF38, v20;
	v24 =	vld.idx.msk [tilespmem:v3+s23+$0x0], $0xffff  }
0xef: {  	v27 =	vmulhi.u32 $0x51EB851F, v13;
	v25 =	vshrl.u32 v7, $0x6;
	v26 =	vshll.u32 v7, $0x2;
	v28 =	vld.idx.msk [tilespmem:v2+s23+$0x0], $0xffff  }
0xf0: {  	v30 =	vmulhi.u32 $0x51EB851F, v14;
	v29 =	vshrl.u32 v23, $0x6;
	v12 =	vadd.s32 v12, v20;
	v20 =	vld.idx.msk [tilespmem:v1+s23+$0x0], $0xffff  }
0xf1: {  	v32 =	vmulhi.u32 $0x51EB851F, v17;
	v31 =	vshrl.u32 v27, $0x6;
	v33 =	vshll.u32 v12, $0x3;
	v34 =	vld.idx.msk [tilespmem:v8+s23+$0x0], $0xffff  }
0xf2: {  	v35 =	vshll.u32 v15, $0x2;
	v12 =	vand.u32 $0x7F, v12;
	v33 =	vand.u32 $0x400, v33;
	v36 =	vld.idx.msk [tilespmem:v9+s23+$0x0], $0xffff  }
0xf3: {  	v15 =	vshll.u32 v15, $0x1;
	v35 =	vand.u32 $0x7FFFF800, v35;
	v12 =	vor.u32 v12, v33  }
0xf4: {  	v15 =	vand.u32 $0x380, v15;
	v33 =	vmulhi.u32 $0x51EB851F, v18;
	v12 =	vor.u32 v35, v12;
	v19 =	vld.idx.msk [tilespmem:v19+s2+$0x0], $0xffff  }
0xf5: {  	v37 =	vshrl.u32 v32, $0x6;
	v35 =	vshrl.u32 v30, $0x6;
	v12 =	vor.u32 v15, v12;
	v15 =	vld.idx.msk [tilespmem:v22+s2+$0x0], $0xffff  }
0xf6: {  	v22 =	vmul.u32 $0xFFFFFF38, v25;
	v25 =	vmul.u32 $0xFFFFFF38, v29;
	v29 =	vshrl.u32 v33, $0x6;
	v24 =	vld.idx.msk [tilespmem:v24+s2+$0x0], $0xffff  }
0xf7: {  	v31 =	vmul.u32 $0xFFFFFF38, v31;
	v37 =	vmul.u32 $0xFFFFFF38, v37;
	v35 =	vmul.u32 $0xFFFFFF38, v35;
	v28 =	vld.idx.msk [tilespmem:v28+s2+$0x0], $0xffff  }
0xf8: {  	v16 =	vadd.s32 v16, v22;
	v11 =	vadd.s32 v11, v25;
	v22 =	vmul.u32 $0xFFFFFF38, v29;
	v20 =	vld.idx.msk [tilespmem:v20+s2+$0x0], $0xffff  }
0xf9: {  	v13 =	vadd.s32 v13, v31;
	v17 =	vadd.s32 v17, v37;
	v14 =	vadd.s32 v14, v35;
	v25 =	vld.idx.msk [tilespmem:v34+s2+$0x0], $0xffff  }
0xfa: {  	v10 =	vadd.s32 v10, v21;
	v29 =	vshll.u32 v16, $0x3;
	v18 =	vadd.s32 v18, v22;
	v22 =	vld.idx.msk [tilespmem:v12+s23+$0x0], $0xffff  }
0xfb: {  	v31 =	vshll.u32 v13, $0x3;
	v21 =	vshll.u32 v11, $0x3;
	v34 =	vshll.u32 v14, $0x3;
	[tilespmem:v5+s31+$0x0] =	vst.idx.msk $0xffff, v19;
	v5 =	vld.idx.msk [tilespmem:v36+s2+$0x0], $0xffff  }
0xfc: {  	v35 =	vshll.u32 v18, $0x3;
	v19 =	vshll.u32 v17, $0x3;
	v36 =	vshll.u32 v10, $0x3;
	[tilespmem:v4+s31+$0x0] =	vst.idx.msk $0xffff, v15  }
0xfd: {  	v4 =	vand.u32 $0x400, v29;
	v15 =	vand.u32 $0x400, v21;
	v21 =	vand.u32 $0x400, v31;
	[tilespmem:v3+s31+$0x0] =	vst.idx.msk $0xffff, v24  }
0xfe: {  	v19 =	vand.u32 $0x400, v19;
	v3 =	vand.u32 $0x400, v34;
	v24 =	vand.u32 $0x400, v35;
	[tilespmem:v2+s31+$0x0] =	vst.idx.msk $0xffff, v28  }
0xff: {  	v13 =	vand.u32 $0x7F, v13;
	v11 =	vand.u32 $0x7F, v11;
	v2 =	vand.u32 $0x7F, v16;
	[tilespmem:v1+s31+$0x0] =	vst.idx.msk $0xffff, v20  }
0x100: {  	v16 =	vand.u32 $0x7F, v18;
	v1 =	vand.u32 $0x7F, v14;
	v14 =	vand.u32 $0x7F, v17;
	[tilespmem:v8+s31+$0x0] =	vst.idx.msk $0xffff, v25  }
0x101: {  	v10 =	vand.u32 $0x7F, v10;
	v17 =	vand.u32 $0x400, v36;
	v8 =	vshll.u32 v23, $0x2;
	[tilespmem:v9+s31+$0x0] =	vst.idx.msk $0xffff, v5  }
0x102: {  	v18 =	vshll.u32 v32, $0x2;
	v5 =	vshll.u32 v27, $0x2;
	v9 =	vshll.u32 v30, $0x2;
	v20 =	vld.idx.msk [tilespmem:v22+s2+$0x0], $0xffff  }
0x103: {  	v2 =	vor.u32 v2, v4;
	v4 =	vshll.u32 v33, $0x2;
	v22 =	vshll.u32 v6, $0x2  }
0x104: {  	v11 =	vor.u32 v11, v15;
	v13 =	vor.u32 v13, v21;
	v1 =	vor.u32 v1, v3  }
0x105: {  	v3 =	vor.u32 v14, v19;
	v14 =	vor.u32 v16, v24;
	v10 =	vor.u32 v10, v17  }
0x106: {  	v15 =	vand.u32 $0x7FFFF800, v26;
	v8 =	vand.u32 $0x7FFFF800, v8;
	v5 =	vand.u32 $0x7FFFF800, v5  }
0x107: {  	v16 =	vand.u32 $0x7FFFF800, v18;
	v4 =	vand.u32 $0x7FFFF800, v4;
	v9 =	vand.u32 $0x7FFFF800, v9  }
0x108: {  	v17 =	vshll.u32 v7, $0x1;
	v18 =	vshll.u32 v23, $0x1;
	v19 =	vshll.u32 v27, $0x1;
	[tilespmem:v12+s31+$0x0] =	vst.idx.msk $0xffff, v20  }
0x109: {  	v21 =	vshll.u32 v33, $0x1;
	v12 =	vshll.u32 v30, $0x1;
	v20 =	vshll.u32 v32, $0x1  }
0x10a: {  	v2 =	vor.u32 v15, v2;
	v15 =	vand.u32 $0x7FFFF800, v22;
	v22 =	vshll.u32 v6, $0x1  }
0x10b: {  	v11 =	vor.u32 v8, v11;
	v13 =	vor.u32 v5, v13;
	v1 =	vor.u32 v9, v1  }
.Ltmp2:
0x10c: {  	v16 =	vor.u32 v16, v3;
	v7 =	vor.u32 v4, v14;
	v6 =	vor.u32 v15, v10;
	(pc) =	sbr.rel @p0 .LBB2_6-.Ltmp2, $4  }
0x10d: {  	v3 =	vand.u32 $0x380, v17;
	v4 =	vand.u32 $0x380, v18;
	v10 =	vand.u32 $0x380, v19  }
0x10e: {  	v8 =	vand.u32 $0x380, v21;
	v12 =	vand.u32 $0x380, v12;
	v14 =	vand.u32 $0x380, v20  }
0x10f: {  	v5 =	vor.u32 v3, v2;
	v4 =	vor.u32 v4, v11;
	v9 =	vand.u32 $0x380, v22  }
0x110: {  	s6 =	sadd.s32 $0x80, s6;
	v3 =	vor.u32 v10, v13;
	v2 =	vor.u32 v12, v1;
	v1 =	vor.u32 v14, v16  }
0x111: {  	_ =	sdelay $0x3  }
0x112: {  	v7 =	vor.u32 v8, v7;
	v8 =	vld.idx.msk [tilespmem:v5+s23+$0x0], $0xffff  }
0x113: {  	v6 =	vor.u32 v9, v6;
	v9 =	vld.idx.msk [tilespmem:v4+s23+$0x0], $0xffff;
	s5 =	simm.s32 $0x60  }
0x114: {  	v10 =	vld.idx.msk [tilespmem:v3+s23+$0x0], $0xffff;
	s6 =	simm.s32 $0x70;
	v13 =	vor.u32 s5, v0  }
0x115: {  	v11 =	vld.idx.msk [tilespmem:v2+s23+$0x0], $0xffff;
	s9 =	simm.s32 $0x0;
	v15 =	vor.u32 s6, v0;
	v17 =	vmulhi.u32 $0x51EB851F, v13  }
0x116: {  	v12 =	vld.idx.msk [tilespmem:v1+s23+$0x0], $0xffff;
	s7 =	simm.s32 $0x10;
	v22 =	vor.u32 s9, v0;
	v19 =	vmulhi.u32 $0x51EB851F, v15  }
0x117: {  	s8 =	simm.s32 $0x30;
	v16 =	vor.u32 s7, v0;
	s7 =	simm.s32 $0x20;
	v25 =	vmulhi.u32 $0x51EB851F, v22;
	v14 =	vld.idx.msk [tilespmem:v7+s23+$0x0], $0xffff  }
0x118: {  	v21 =	vor.u32 s8, v0;
	s8 =	simm.s32 $0x40;
	s9 =	simm.s32 $0x50;
	v20 =	vor.u32 s7, v0;
	v28 =	vmulhi.u32 $0x51EB851F, v16;
	v18 =	vld.idx.msk [tilespmem:v6+s23+$0x0], $0xffff  }
0x119: {  	v23 =	vor.u32 s8, v0;
	v27 =	vor.u32 s9, v0;
	v33 =	vmulhi.u32 $0x51EB851F, v21  }
0x11a: {  	v63 =	vmulhi.u32 $0x51EB851F, v20;
	v24 =	vshrl.u32 v17, $0x6;
	v26 =	vshrl.u32 v19, $0x6;
	v8 =	vld.idx.msk [tilespmem:v8+s2+$0x0], $0xffff  }
0x11b: {  	v29 =	vshrl.u32 v25, $0x6;
	v30 =	vshll.u32 v25, $0x2;
	v31 =	vshrl.u32 v28, $0x6;
	v9 =	vld.idx.msk [tilespmem:v9+s2+$0x0], $0xffff  }
0x11c: {  	v34 =	vshll.u32 v17, $0x2;
	v17 =	vshll.u32 v17, $0x1;
	v43 =	vshll.u32 v28, $0x2;
	v10 =	vld.idx.msk [tilespmem:v10+s2+$0x0], $0xffff  }
0x11d: {  	v46 =	vshll.u32 v33, $0x2;
	v48 =	vshll.u32 v19, $0x2;
	v54 =	vshll.u32 v25, $0x1;
	v11 =	vld.idx.msk [tilespmem:v11+s2+$0x0], $0xffff  }
0x11e: {  	v55 =	vshll.u32 v28, $0x1;
	v57 =	vshll.u32 v33, $0x1;
	v19 =	vshll.u32 v19, $0x1;
	v12 =	vld.idx.msk [tilespmem:v12+s2+$0x0], $0xffff  }
0x11f: {  	v24 =	vmul.u32 $0xFFFFFF38, v24;
	v26 =	vmul.u32 $0xFFFFFF38, v26;
	v35 =	vand.u32 $0x380, v17;
	[tilespmem:v5+s31+$0x0] =	vst.idx.msk $0xffff, v8;
	v5 =	vld.idx.msk [tilespmem:v14+s2+$0x0], $0xffff  }
0x120: {  	v36 =	vmul.u32 $0xFFFFFF38, v31;
	v45 =	vshll.u32 v63, $0x2;
	v49 =	vand.u32 $0x7FFFF800, v30;
	[tilespmem:v4+s31+$0x0] =	vst.idx.msk $0xffff, v9;
	v4 =	vld.idx.msk [tilespmem:v18+s2+$0x0], $0xffff  }
0x121: {  	v50 =	vand.u32 $0x7FFFF800, v43;
	v52 =	vand.u32 $0x7FFFF800, v46;
	v13 =	vadd.s32 v13, v24;
	[tilespmem:v3+s31+$0x0] =	vst.idx.msk $0xffff, v10  }
0x122: {  	v56 =	vshll.u32 v63, $0x1;
	v58 =	vand.u32 $0x7FFFF800, v48;
	v32 =	vshll.u32 v13, $0x3;
	[tilespmem:v2+s31+$0x0] =	vst.idx.msk $0xffff, v11  }
0x123: {  	v62 =	vand.u32 $0x380, v57;
	v13 =	vand.u32 $0x7F, v13;
	v32 =	vand.u32 $0x400, v32;
	[tilespmem:v1+s31+$0x0] =	vst.idx.msk $0xffff, v12  }
0x124: {  	v51 =	vand.u32 $0x7FFFF800, v45;
	v61 =	vand.u32 $0x380, v56;
	v13 =	vor.u32 v13, v32;
	[tilespmem:v7+s31+$0x0] =	vst.idx.msk $0xffff, v5  }
0x125: {  	v8 =	vshrl.u32 v63, $0x6;
	v9 =	vmulhi.u32 $0x51EB851F, v23;
	v14 =	vand.u32 $0x7FFFF800, v34;
	[tilespmem:v6+s31+$0x0] =	vst.idx.msk $0xffff, v4  }
0x126: {  	v10 =	vmulhi.u32 $0x51EB851F, v27;
	v2 =	vshrl.u32 v33, $0x6;
	v1 =	vmul.u32 $0xFFFFFF38, v29;
	[hbm4b:s11+s2] =	stream.linear.scatter [tilespmem:s31], [sflag:$0x7], $0x1000, $0x38;
	[tilespmem:$0x1E700] =	vst v63  }
0x127: {  	v3 =	vor.u32 v14, v13;
	v2 =	vmul.u32 $0xFFFFFF38, v2;
	v11 =	vshrl.u32 v9, $0x6  }
0x128: {  	v3 =	vor.u32 v35, v3;
	v37 =	vshrl.u32 v10, $0x6;
	v1 =	vadd.s32 v22, v1;
	[tilespmem:s23], [sflag:$0x4] =	stream.linear.gather [hbm4b:s12+s2], $0x1000, $0x38;
	[tilespmem:$0x1E700] =	vst v63  }
0x129: {  	v47 =	vshll.u32 v9, $0x2;
	v9 =	vshll.u32 v9, $0x1;
	v2 =	vadd.s32 v21, v2;
	_ =	swait.ge [sflag:s24], $0x1000  }
0x12a: {  	v53 =	vand.u32 $0x7FFFF800, v47;
	v63 =	vand.u32 $0x380, v9;
	v9 =	vand.u32 $0x380, v19;
	[sflag:s24] =	ssyncset.done $0x0  }
0x12b: {  	v39 =	vshll.u32 v2, $0x3;
	v2 =	vand.u32 $0x7F, v2;
	v5 =	vmul.u32 $0xFFFFFF38, v8;
	[sflag:s24] =	ssyncadd.s32 $0xFFFFF000  }
0x12c: {  	v7 =	vmul.u32 $0xFFFFFF38, v11;
	v4 =	vadd.s32 v16, v36;
	v6 =	vmul.u32 $0xFFFFFF38, v37;
	_ =	swait.ge [sflag:s0], $0x1000  }
0x12d: {  	v8 =	vshll.u32 v1, $0x3;
	v11 =	vadd.s32 v15, v26;
	v14 =	vand.u32 $0x400, v39;
	[sflag:s0] =	ssyncset.done $0x0  }
0x12e: {  	v1 =	vand.u32 $0x7F, v1;
	v12 =	vshll.u32 v4, $0x3;
	v42 =	vshll.u32 v11, $0x3;
	[sflag:s0] =	ssyncadd.s32 $0xFFFFF000  }
0x12f: {  	v8 =	vand.u32 $0x400, v8;
	v4 =	vand.u32 $0x7F, v4;
	v11 =	vand.u32 $0x7F, v11;
	v44 =	vld.idx.msk [tilespmem:v3+s21+$0x0], $0xffff  }
0x130: {  	v2 =	vor.u32 v2, v14;
	v5 =	vadd.s32 v20, v5;
	v7 =	vadd.s32 v23, v7  }
0x131: {  	v6 =	vadd.s32 v27, v6;
	v12 =	vand.u32 $0x400, v12;
	v17 =	vand.u32 $0x400, v42  }
0x132: {  	v1 =	vor.u32 v1, v8;
	v8 =	vshll.u32 v10, $0x2;
	v10 =	vshll.u32 v10, $0x1  }
0x133: {  	v2 =	vor.u32 v52, v2;
	v38 =	vshll.u32 v5, $0x3;
	v40 =	vshll.u32 v7, $0x3  }
0x134: {  	v41 =	vshll.u32 v6, $0x3;
	v5 =	vand.u32 $0x7F, v5;
	v7 =	vand.u32 $0x7F, v7  }
0x135: {  	v6 =	vand.u32 $0x7F, v6;
	v4 =	vor.u32 v4, v12;
	v11 =	vor.u32 v11, v17  }
0x136: {  	v8 =	vand.u32 $0x7FFFF800, v8;
	v1 =	vor.u32 v49, v1;
	v13 =	vand.u32 $0x400, v38  }
0x137: {  	v15 =	vand.u32 $0x400, v40;
	v16 =	vand.u32 $0x400, v41;
	v4 =	vor.u32 v50, v4;
	v20 =	vld.idx.msk [tilespmem:v44+s2+$0x0], $0xffff  }
0x138: {  	v5 =	vor.u32 v5, v13;
	v7 =	vor.u32 v7, v15;
	v6 =	vor.u32 v6, v16  }
0x139: {  	v59 =	vor.u32 v51, v5;
	v60 =	vor.u32 v53, v7;
	v7 =	vor.u32 v8, v6  }
0x13a: {  	v6 =	vor.u32 v58, v11;
	v5 =	vand.u32 $0x380, v54;
	v11 =	vand.u32 $0x380, v55  }
0x13b: {  	v2 =	vor.u32 v62, v2;
	v5 =	vor.u32 v5, v1;
	v4 =	vor.u32 v11, v4  }
0x13c: {  	s5 =	simm.s32 $0x0;
	s6 =	simm.s32 $0xF0;
	v8 =	vand.u32 $0x380, v10;
	v1 =	vor.u32 v63, v60;
	[tilespmem:v3+s26+$0x0] =	vst.idx.msk $0xffff, v20;
	v3 =	vor.u32 v61, v59  }
.LBB2_8:
0x13d: {  	s7 =	sadd.s32 $0xFFFFFFA0, s6;
	s8 =	sadd.s32 $0xFFFFFFF0, s6;
	v10 =	vor.u32 s6, v0;
	s5 =	sadd.s32 $0x8, s5;
	v8 =	vor.u32 v8, v7;
	v9 =	vor.u32 v9, v6  }
0x13e: {  	s9 =	sadd.s32 $0xFFFFFFC0, s6;
	v11 =	vor.u32 s7, v0;
	s7 =	sadd.s32 $0xFFFFFFB0, s6;
	v12 =	vor.u32 s8, v0;
	v6 =	vmulhi.u32 $0x51EB851F, v10;
	p0 =	slt.u32 s5, $0xC0  }
0x13f: {  	s8 =	sadd.s32 $0xFFFFFF90, s6;
	v14 =	vor.u32 s9, v0;
	s9 =	sadd.s32 $0xFFFFFFE0, s6;
	v13 =	vor.u32 s7, v0;
	s7 =	sadd.s32 $0xFFFFFFD0, s6;
	v15 =	vmulhi.u32 $0x51EB851F, v12  }
0x140: {  	v16 =	vor.u32 s8, v0;
	v18 =	vor.u32 s9, v0;
	v17 =	vor.u32 s7, v0;
	v19 =	vld.idx.msk [tilespmem:v5+s21+$0x0], $0xffff  }
0x141: {  	v7 =	vmulhi.u32 $0x51EB851F, v16;
	v21 =	vshrl.u32 v6, $0x6;
	v20 =	vshrl.u32 v15, $0x6;
	v22 =	vld.idx.msk [tilespmem:v4+s21+$0x0], $0xffff  }
0x142: {  	v23 =	vmulhi.u32 $0x51EB851F, v11;
	v21 =	vmul.u32 $0xFFFFFF38, v21;
	v20 =	vmul.u32 $0xFFFFFF38, v20;
	v24 =	vld.idx.msk [tilespmem:v3+s21+$0x0], $0xffff  }
0x143: {  	v27 =	vmulhi.u32 $0x51EB851F, v13;
	v25 =	vshrl.u32 v7, $0x6;
	v26 =	vshll.u32 v7, $0x2;
	v28 =	vld.idx.msk [tilespmem:v2+s21+$0x0], $0xffff  }
0x144: {  	v30 =	vmulhi.u32 $0x51EB851F, v14;
	v29 =	vshrl.u32 v23, $0x6;
	v12 =	vadd.s32 v12, v20;
	v20 =	vld.idx.msk [tilespmem:v1+s21+$0x0], $0xffff  }
0x145: {  	v32 =	vmulhi.u32 $0x51EB851F, v17;
	v31 =	vshrl.u32 v27, $0x6;
	v33 =	vshll.u32 v12, $0x3;
	v34 =	vld.idx.msk [tilespmem:v8+s21+$0x0], $0xffff  }
0x146: {  	v35 =	vshll.u32 v15, $0x2;
	v12 =	vand.u32 $0x7F, v12;
	v33 =	vand.u32 $0x400, v33;
	v36 =	vld.idx.msk [tilespmem:v9+s21+$0x0], $0xffff  }
0x147: {  	v15 =	vshll.u32 v15, $0x1;
	v35 =	vand.u32 $0x7FFFF800, v35;
	v12 =	vor.u32 v12, v33  }
0x148: {  	v15 =	vand.u32 $0x380, v15;
	v33 =	vmulhi.u32 $0x51EB851F, v18;
	v12 =	vor.u32 v35, v12;
	v19 =	vld.idx.msk [tilespmem:v19+s2+$0x0], $0xffff  }
0x149: {  	v37 =	vshrl.u32 v32, $0x6;
	v35 =	vshrl.u32 v30, $0x6;
	v12 =	vor.u32 v15, v12;
	v15 =	vld.idx.msk [tilespmem:v22+s2+$0x0], $0xffff  }
0x14a: {  	v22 =	vmul.u32 $0xFFFFFF38, v25;
	v25 =	vmul.u32 $0xFFFFFF38, v29;
	v29 =	vshrl.u32 v33, $0x6;
	v24 =	vld.idx.msk [tilespmem:v24+s2+$0x0], $0xffff  }
0x14b: {  	v31 =	vmul.u32 $0xFFFFFF38, v31;
	v37 =	vmul.u32 $0xFFFFFF38, v37;
	v35 =	vmul.u32 $0xFFFFFF38, v35;
	v28 =	vld.idx.msk [tilespmem:v28+s2+$0x0], $0xffff  }
0x14c: {  	v16 =	vadd.s32 v16, v22;
	v11 =	vadd.s32 v11, v25;
	v22 =	vmul.u32 $0xFFFFFF38, v29;
	v20 =	vld.idx.msk [tilespmem:v20+s2+$0x0], $0xffff  }
0x14d: {  	v13 =	vadd.s32 v13, v31;
	v17 =	vadd.s32 v17, v37;
	v14 =	vadd.s32 v14, v35;
	v25 =	vld.idx.msk [tilespmem:v34+s2+$0x0], $0xffff  }
0x14e: {  	v10 =	vadd.s32 v10, v21;
	v29 =	vshll.u32 v16, $0x3;
	v18 =	vadd.s32 v18, v22;
	v22 =	vld.idx.msk [tilespmem:v12+s21+$0x0], $0xffff  }
0x14f: {  	v31 =	vshll.u32 v13, $0x3;
	v21 =	vshll.u32 v11, $0x3;
	v34 =	vshll.u32 v14, $0x3;
	[tilespmem:v5+s26+$0x0] =	vst.idx.msk $0xffff, v19;
	v5 =	vld.idx.msk [tilespmem:v36+s2+$0x0], $0xffff  }
0x150: {  	v35 =	vshll.u32 v18, $0x3;
	v19 =	vshll.u32 v17, $0x3;
	v36 =	vshll.u32 v10, $0x3;
	[tilespmem:v4+s26+$0x0] =	vst.idx.msk $0xffff, v15  }
0x151: {  	v4 =	vand.u32 $0x400, v29;
	v15 =	vand.u32 $0x400, v21;
	v21 =	vand.u32 $0x400, v31;
	[tilespmem:v3+s26+$0x0] =	vst.idx.msk $0xffff, v24  }
0x152: {  	v19 =	vand.u32 $0x400, v19;
	v3 =	vand.u32 $0x400, v34;
	v24 =	vand.u32 $0x400, v35;
	[tilespmem:v2+s26+$0x0] =	vst.idx.msk $0xffff, v28  }
0x153: {  	v13 =	vand.u32 $0x7F, v13;
	v11 =	vand.u32 $0x7F, v11;
	v2 =	vand.u32 $0x7F, v16;
	[tilespmem:v1+s26+$0x0] =	vst.idx.msk $0xffff, v20  }
0x154: {  	v16 =	vand.u32 $0x7F, v18;
	v1 =	vand.u32 $0x7F, v14;
	v14 =	vand.u32 $0x7F, v17;
	[tilespmem:v8+s26+$0x0] =	vst.idx.msk $0xffff, v25  }
0x155: {  	v10 =	vand.u32 $0x7F, v10;
	v17 =	vand.u32 $0x400, v36;
	v8 =	vshll.u32 v23, $0x2;
	[tilespmem:v9+s26+$0x0] =	vst.idx.msk $0xffff, v5  }
0x156: {  	v18 =	vshll.u32 v32, $0x2;
	v5 =	vshll.u32 v27, $0x2;
	v9 =	vshll.u32 v30, $0x2;
	v20 =	vld.idx.msk [tilespmem:v22+s2+$0x0], $0xffff  }
0x157: {  	v2 =	vor.u32 v2, v4;
	v4 =	vshll.u32 v33, $0x2;
	v22 =	vshll.u32 v6, $0x2  }
0x158: {  	v11 =	vor.u32 v11, v15;
	v13 =	vor.u32 v13, v21;
	v1 =	vor.u32 v1, v3  }
0x159: {  	v3 =	vor.u32 v14, v19;
	v14 =	vor.u32 v16, v24;
	v10 =	vor.u32 v10, v17  }
0x15a: {  	v15 =	vand.u32 $0x7FFFF800, v26;
	v8 =	vand.u32 $0x7FFFF800, v8;
	v5 =	vand.u32 $0x7FFFF800, v5  }
0x15b: {  	v16 =	vand.u32 $0x7FFFF800, v18;
	v4 =	vand.u32 $0x7FFFF800, v4;
	v9 =	vand.u32 $0x7FFFF800, v9  }
0x15c: {  	v17 =	vshll.u32 v7, $0x1;
	v18 =	vshll.u32 v23, $0x1;
	v19 =	vshll.u32 v27, $0x1;
	[tilespmem:v12+s26+$0x0] =	vst.idx.msk $0xffff, v20  }
0x15d: {  	v21 =	vshll.u32 v33, $0x1;
	v12 =	vshll.u32 v30, $0x1;
	v20 =	vshll.u32 v32, $0x1  }
0x15e: {  	v2 =	vor.u32 v15, v2;
	v15 =	vand.u32 $0x7FFFF800, v22;
	v22 =	vshll.u32 v6, $0x1  }
0x15f: {  	v11 =	vor.u32 v8, v11;
	v13 =	vor.u32 v5, v13;
	v1 =	vor.u32 v9, v1  }
.Ltmp3:
0x160: {  	v16 =	vor.u32 v16, v3;
	v7 =	vor.u32 v4, v14;
	v6 =	vor.u32 v15, v10;
	(pc) =	sbr.rel @p0 .LBB2_8-.Ltmp3, $4  }
0x161: {  	v3 =	vand.u32 $0x380, v17;
	v4 =	vand.u32 $0x380, v18;
	v10 =	vand.u32 $0x380, v19  }
0x162: {  	v8 =	vand.u32 $0x380, v21;
	v12 =	vand.u32 $0x380, v12;
	v14 =	vand.u32 $0x380, v20  }
0x163: {  	v5 =	vor.u32 v3, v2;
	v4 =	vor.u32 v4, v11;
	v9 =	vand.u32 $0x380, v22  }
0x164: {  	s6 =	sadd.s32 $0x80, s6;
	v3 =	vor.u32 v10, v13;
	v2 =	vor.u32 v12, v1;
	v1 =	vor.u32 v14, v16  }
0x165: {  	_ =	sdelay $0x3  }
0x166: {  	v7 =	vor.u32 v8, v7;
	v8 =	vld.idx.msk [tilespmem:v5+s21+$0x0], $0xffff  }
0x167: {  	v6 =	vor.u32 v9, v6;
	v9 =	vld.idx.msk [tilespmem:v4+s21+$0x0], $0xffff;
	s5 =	simm.s32 $0x60  }
0x168: {  	v10 =	vld.idx.msk [tilespmem:v3+s21+$0x0], $0xffff;
	s6 =	simm.s32 $0x70;
	v13 =	vor.u32 s5, v0  }
0x169: {  	v11 =	vld.idx.msk [tilespmem:v2+s21+$0x0], $0xffff;
	s9 =	simm.s32 $0x0;
	v15 =	vor.u32 s6, v0;
	v17 =	vmulhi.u32 $0x51EB851F, v13  }
0x16a: {  	v12 =	vld.idx.msk [tilespmem:v1+s21+$0x0], $0xffff;
	s7 =	simm.s32 $0x10;
	v22 =	vor.u32 s9, v0;
	v19 =	vmulhi.u32 $0x51EB851F, v15  }
0x16b: {  	s8 =	simm.s32 $0x30;
	v16 =	vor.u32 s7, v0;
	s7 =	simm.s32 $0x20;
	v25 =	vmulhi.u32 $0x51EB851F, v22;
	v14 =	vld.idx.msk [tilespmem:v7+s21+$0x0], $0xffff  }
0x16c: {  	v21 =	vor.u32 s8, v0;
	s8 =	simm.s32 $0x40;
	s9 =	simm.s32 $0x50;
	v20 =	vor.u32 s7, v0;
	v28 =	vmulhi.u32 $0x51EB851F, v16;
	v18 =	vld.idx.msk [tilespmem:v6+s21+$0x0], $0xffff  }
0x16d: {  	v23 =	vor.u32 s8, v0;
	v27 =	vor.u32 s9, v0;
	v33 =	vmulhi.u32 $0x51EB851F, v21  }
0x16e: {  	v63 =	vmulhi.u32 $0x51EB851F, v20;
	v24 =	vshrl.u32 v17, $0x6;
	v26 =	vshrl.u32 v19, $0x6;
	v8 =	vld.idx.msk [tilespmem:v8+s2+$0x0], $0xffff  }
0x16f: {  	v29 =	vshrl.u32 v25, $0x6;
	v30 =	vshll.u32 v25, $0x2;
	v31 =	vshrl.u32 v28, $0x6;
	v9 =	vld.idx.msk [tilespmem:v9+s2+$0x0], $0xffff  }
0x170: {  	v34 =	vshll.u32 v17, $0x2;
	v17 =	vshll.u32 v17, $0x1;
	v43 =	vshll.u32 v28, $0x2;
	v10 =	vld.idx.msk [tilespmem:v10+s2+$0x0], $0xffff  }
0x171: {  	v46 =	vshll.u32 v33, $0x2;
	v48 =	vshll.u32 v19, $0x2;
	v54 =	vshll.u32 v25, $0x1;
	v11 =	vld.idx.msk [tilespmem:v11+s2+$0x0], $0xffff  }
0x172: {  	v55 =	vshll.u32 v28, $0x1;
	v57 =	vshll.u32 v33, $0x1;
	v19 =	vshll.u32 v19, $0x1;
	v12 =	vld.idx.msk [tilespmem:v12+s2+$0x0], $0xffff  }
0x173: {  	v24 =	vmul.u32 $0xFFFFFF38, v24;
	v26 =	vmul.u32 $0xFFFFFF38, v26;
	v35 =	vand.u32 $0x380, v17;
	[tilespmem:v5+s26+$0x0] =	vst.idx.msk $0xffff, v8;
	v5 =	vld.idx.msk [tilespmem:v14+s2+$0x0], $0xffff  }
0x174: {  	v36 =	vmul.u32 $0xFFFFFF38, v31;
	v45 =	vshll.u32 v63, $0x2;
	v49 =	vand.u32 $0x7FFFF800, v30;
	[tilespmem:v4+s26+$0x0] =	vst.idx.msk $0xffff, v9;
	v4 =	vld.idx.msk [tilespmem:v18+s2+$0x0], $0xffff  }
0x175: {  	v50 =	vand.u32 $0x7FFFF800, v43;
	v52 =	vand.u32 $0x7FFFF800, v46;
	v13 =	vadd.s32 v13, v24;
	[tilespmem:v3+s26+$0x0] =	vst.idx.msk $0xffff, v10  }
0x176: {  	v56 =	vshll.u32 v63, $0x1;
	v58 =	vand.u32 $0x7FFFF800, v48;
	v32 =	vshll.u32 v13, $0x3;
	[tilespmem:v2+s26+$0x0] =	vst.idx.msk $0xffff, v11  }
0x177: {  	v62 =	vand.u32 $0x380, v57;
	v13 =	vand.u32 $0x7F, v13;
	v32 =	vand.u32 $0x400, v32;
	[tilespmem:v1+s26+$0x0] =	vst.idx.msk $0xffff, v12  }
0x178: {  	v51 =	vand.u32 $0x7FFFF800, v45;
	v61 =	vand.u32 $0x380, v56;
	v13 =	vor.u32 v13, v32;
	[tilespmem:v7+s26+$0x0] =	vst.idx.msk $0xffff, v5  }
0x179: {  	v8 =	vshrl.u32 v63, $0x6;
	v9 =	vmulhi.u32 $0x51EB851F, v23;
	v14 =	vand.u32 $0x7FFFF800, v34;
	[tilespmem:v6+s26+$0x0] =	vst.idx.msk $0xffff, v4  }
0x17a: {  	v10 =	vmulhi.u32 $0x51EB851F, v27;
	v2 =	vshrl.u32 v33, $0x6;
	v1 =	vmul.u32 $0xFFFFFF38, v29;
	[hbm4b:s13+s2] =	stream.linear.scatter [tilespmem:s26], [sflag:$0x5], $0x1000, $0x38;
	[tilespmem:$0x1E700] =	vst v63  }
0x17b: {  	v3 =	vor.u32 v14, v13;
	v2 =	vmul.u32 $0xFFFFFF38, v2;
	v11 =	vshrl.u32 v9, $0x6  }
0x17c: {  	v3 =	vor.u32 v35, v3;
	v37 =	vshrl.u32 v10, $0x6;
	v1 =	vadd.s32 v22, v1;
	[tilespmem:s21], [sflag:$0x2] =	stream.linear.gather [hbm4b:s14+s2], $0x1000, $0x38;
	[tilespmem:$0x1E700] =	vst v63  }
0x17d: {  	v47 =	vshll.u32 v9, $0x2;
	v9 =	vshll.u32 v9, $0x1;
	v2 =	vadd.s32 v21, v2;
	_ =	swait.ge [sflag:s28], $0x1000  }
0x17e: {  	v53 =	vand.u32 $0x7FFFF800, v47;
	v63 =	vand.u32 $0x380, v9;
	v9 =	vand.u32 $0x380, v19;
	[sflag:s28] =	ssyncset.done $0x0  }
0x17f: {  	v39 =	vshll.u32 v2, $0x3;
	v2 =	vand.u32 $0x7F, v2;
	v5 =	vmul.u32 $0xFFFFFF38, v8;
	[sflag:s28] =	ssyncadd.s32 $0xFFFFF000  }
0x180: {  	v7 =	vmul.u32 $0xFFFFFF38, v11;
	v4 =	vadd.s32 v16, v36;
	v6 =	vmul.u32 $0xFFFFFF38, v37;
	_ =	swait.ge [sflag:s3], $0x1000  }
0x181: {  	v8 =	vshll.u32 v1, $0x3;
	v11 =	vadd.s32 v15, v26;
	v14 =	vand.u32 $0x400, v39;
	[sflag:s3] =	ssyncset.done $0x0  }
0x182: {  	v1 =	vand.u32 $0x7F, v1;
	v12 =	vshll.u32 v4, $0x3;
	v42 =	vshll.u32 v11, $0x3;
	[sflag:s3] =	ssyncadd.s32 $0xFFFFF000  }
0x183: {  	v8 =	vand.u32 $0x400, v8;
	v4 =	vand.u32 $0x7F, v4;
	v11 =	vand.u32 $0x7F, v11;
	v44 =	vld.idx.msk [tilespmem:v3+s22+$0x0], $0xffff  }
0x184: {  	v2 =	vor.u32 v2, v14;
	v5 =	vadd.s32 v20, v5;
	v7 =	vadd.s32 v23, v7  }
0x185: {  	v6 =	vadd.s32 v27, v6;
	v12 =	vand.u32 $0x400, v12;
	v17 =	vand.u32 $0x400, v42  }
0x186: {  	v1 =	vor.u32 v1, v8;
	v8 =	vshll.u32 v10, $0x2;
	v10 =	vshll.u32 v10, $0x1  }
0x187: {  	v2 =	vor.u32 v52, v2;
	v38 =	vshll.u32 v5, $0x3;
	v40 =	vshll.u32 v7, $0x3  }
0x188: {  	v41 =	vshll.u32 v6, $0x3;
	v5 =	vand.u32 $0x7F, v5;
	v7 =	vand.u32 $0x7F, v7  }
0x189: {  	v6 =	vand.u32 $0x7F, v6;
	v4 =	vor.u32 v4, v12;
	v11 =	vor.u32 v11, v17  }
0x18a: {  	v8 =	vand.u32 $0x7FFFF800, v8;
	v1 =	vor.u32 v49, v1;
	v13 =	vand.u32 $0x400, v38  }
0x18b: {  	v15 =	vand.u32 $0x400, v40;
	v16 =	vand.u32 $0x400, v41;
	v4 =	vor.u32 v50, v4;
	v20 =	vld.idx.msk [tilespmem:v44+s2+$0x0], $0xffff  }
0x18c: {  	v5 =	vor.u32 v5, v13;
	v7 =	vor.u32 v7, v15;
	v6 =	vor.u32 v6, v16  }
0x18d: {  	v59 =	vor.u32 v51, v5;
	v60 =	vor.u32 v53, v7;
	v7 =	vor.u32 v8, v6  }
0x18e: {  	v6 =	vor.u32 v58, v11;
	v5 =	vand.u32 $0x380, v54;
	v11 =	vand.u32 $0x380, v55  }
0x18f: {  	v2 =	vor.u32 v62, v2;
	v5 =	vor.u32 v5, v1;
	v4 =	vor.u32 v11, v4  }
0x190: {  	s5 =	simm.s32 $0x0;
	s6 =	simm.s32 $0xF0;
	v8 =	vand.u32 $0x380, v10;
	v1 =	vor.u32 v63, v60;
	[tilespmem:v3+s29+$0x0] =	vst.idx.msk $0xffff, v20;
	v3 =	vor.u32 v61, v59  }
.LBB2_10:
0x191: {  	s7 =	sadd.s32 $0xFFFFFFA0, s6;
	s8 =	sadd.s32 $0xFFFFFFF0, s6;
	v10 =	vor.u32 s6, v0;
	s5 =	sadd.s32 $0x8, s5;
	v8 =	vor.u32 v8, v7;
	v9 =	vor.u32 v9, v6  }
0x192: {  	s9 =	sadd.s32 $0xFFFFFFC0, s6;
	v11 =	vor.u32 s7, v0;
	s7 =	sadd.s32 $0xFFFFFFB0, s6;
	v12 =	vor.u32 s8, v0;
	v6 =	vmulhi.u32 $0x51EB851F, v10;
	p0 =	slt.u32 s5, $0xC0  }
0x193: {  	s8 =	sadd.s32 $0xFFFFFF90, s6;
	v14 =	vor.u32 s9, v0;
	s9 =	sadd.s32 $0xFFFFFFE0, s6;
	v13 =	vor.u32 s7, v0;
	s7 =	sadd.s32 $0xFFFFFFD0, s6;
	v15 =	vmulhi.u32 $0x51EB851F, v12  }
0x194: {  	v16 =	vor.u32 s8, v0;
	v18 =	vor.u32 s9, v0;
	v17 =	vor.u32 s7, v0;
	v19 =	vld.idx.msk [tilespmem:v5+s22+$0x0], $0xffff  }
0x195: {  	v7 =	vmulhi.u32 $0x51EB851F, v16;
	v21 =	vshrl.u32 v6, $0x6;
	v20 =	vshrl.u32 v15, $0x6;
	v22 =	vld.idx.msk [tilespmem:v4+s22+$0x0], $0xffff  }
0x196: {  	v23 =	vmulhi.u32 $0x51EB851F, v11;
	v21 =	vmul.u32 $0xFFFFFF38, v21;
	v20 =	vmul.u32 $0xFFFFFF38, v20;
	v24 =	vld.idx.msk [tilespmem:v3+s22+$0x0], $0xffff  }
0x197: {  	v27 =	vmulhi.u32 $0x51EB851F, v13;
	v25 =	vshrl.u32 v7, $0x6;
	v26 =	vshll.u32 v7, $0x2;
	v28 =	vld.idx.msk [tilespmem:v2+s22+$0x0], $0xffff  }
0x198: {  	v30 =	vmulhi.u32 $0x51EB851F, v14;
	v29 =	vshrl.u32 v23, $0x6;
	v12 =	vadd.s32 v12, v20;
	v20 =	vld.idx.msk [tilespmem:v1+s22+$0x0], $0xffff  }
0x199: {  	v32 =	vmulhi.u32 $0x51EB851F, v17;
	v31 =	vshrl.u32 v27, $0x6;
	v33 =	vshll.u32 v12, $0x3;
	v34 =	vld.idx.msk [tilespmem:v8+s22+$0x0], $0xffff  }
0x19a: {  	v35 =	vshll.u32 v15, $0x2;
	v12 =	vand.u32 $0x7F, v12;
	v33 =	vand.u32 $0x400, v33;
	v36 =	vld.idx.msk [tilespmem:v9+s22+$0x0], $0xffff  }
0x19b: {  	v15 =	vshll.u32 v15, $0x1;
	v35 =	vand.u32 $0x7FFFF800, v35;
	v12 =	vor.u32 v12, v33  }
0x19c: {  	v15 =	vand.u32 $0x380, v15;
	v33 =	vmulhi.u32 $0x51EB851F, v18;
	v12 =	vor.u32 v35, v12;
	v19 =	vld.idx.msk [tilespmem:v19+s2+$0x0], $0xffff  }
0x19d: {  	v37 =	vshrl.u32 v32, $0x6;
	v35 =	vshrl.u32 v30, $0x6;
	v12 =	vor.u32 v15, v12;
	v15 =	vld.idx.msk [tilespmem:v22+s2+$0x0], $0xffff  }
0x19e: {  	v22 =	vmul.u32 $0xFFFFFF38, v25;
	v25 =	vmul.u32 $0xFFFFFF38, v29;
	v29 =	vshrl.u32 v33, $0x6;
	v24 =	vld.idx.msk [tilespmem:v24+s2+$0x0], $0xffff  }
0x19f: {  	v31 =	vmul.u32 $0xFFFFFF38, v31;
	v37 =	vmul.u32 $0xFFFFFF38, v37;
	v35 =	vmul.u32 $0xFFFFFF38, v35;
	v28 =	vld.idx.msk [tilespmem:v28+s2+$0x0], $0xffff  }
0x1a0: {  	v16 =	vadd.s32 v16, v22;
	v11 =	vadd.s32 v11, v25;
	v22 =	vmul.u32 $0xFFFFFF38, v29;
	v20 =	vld.idx.msk [tilespmem:v20+s2+$0x0], $0xffff  }
0x1a1: {  	v13 =	vadd.s32 v13, v31;
	v17 =	vadd.s32 v17, v37;
	v14 =	vadd.s32 v14, v35;
	v25 =	vld.idx.msk [tilespmem:v34+s2+$0x0], $0xffff  }
0x1a2: {  	v10 =	vadd.s32 v10, v21;
	v29 =	vshll.u32 v16, $0x3;
	v18 =	vadd.s32 v18, v22;
	v22 =	vld.idx.msk [tilespmem:v12+s22+$0x0], $0xffff  }
0x1a3: {  	v31 =	vshll.u32 v13, $0x3;
	v21 =	vshll.u32 v11, $0x3;
	v34 =	vshll.u32 v14, $0x3;
	[tilespmem:v5+s29+$0x0] =	vst.idx.msk $0xffff, v19;
	v5 =	vld.idx.msk [tilespmem:v36+s2+$0x0], $0xffff  }
0x1a4: {  	v35 =	vshll.u32 v18, $0x3;
	v19 =	vshll.u32 v17, $0x3;
	v36 =	vshll.u32 v10, $0x3;
	[tilespmem:v4+s29+$0x0] =	vst.idx.msk $0xffff, v15  }
0x1a5: {  	v4 =	vand.u32 $0x400, v29;
	v15 =	vand.u32 $0x400, v21;
	v21 =	vand.u32 $0x400, v31;
	[tilespmem:v3+s29+$0x0] =	vst.idx.msk $0xffff, v24  }
0x1a6: {  	v19 =	vand.u32 $0x400, v19;
	v3 =	vand.u32 $0x400, v34;
	v24 =	vand.u32 $0x400, v35;
	[tilespmem:v2+s29+$0x0] =	vst.idx.msk $0xffff, v28  }
0x1a7: {  	v13 =	vand.u32 $0x7F, v13;
	v11 =	vand.u32 $0x7F, v11;
	v2 =	vand.u32 $0x7F, v16;
	[tilespmem:v1+s29+$0x0] =	vst.idx.msk $0xffff, v20  }
0x1a8: {  	v16 =	vand.u32 $0x7F, v18;
	v1 =	vand.u32 $0x7F, v14;
	v14 =	vand.u32 $0x7F, v17;
	[tilespmem:v8+s29+$0x0] =	vst.idx.msk $0xffff, v25  }
0x1a9: {  	v10 =	vand.u32 $0x7F, v10;
	v17 =	vand.u32 $0x400, v36;
	v8 =	vshll.u32 v23, $0x2;
	[tilespmem:v9+s29+$0x0] =	vst.idx.msk $0xffff, v5  }
0x1aa: {  	v18 =	vshll.u32 v32, $0x2;
	v5 =	vshll.u32 v27, $0x2;
	v9 =	vshll.u32 v30, $0x2;
	v20 =	vld.idx.msk [tilespmem:v22+s2+$0x0], $0xffff  }
0x1ab: {  	v2 =	vor.u32 v2, v4;
	v4 =	vshll.u32 v33, $0x2;
	v22 =	vshll.u32 v6, $0x2  }
0x1ac: {  	v11 =	vor.u32 v11, v15;
	v13 =	vor.u32 v13, v21;
	v1 =	vor.u32 v1, v3  }
0x1ad: {  	v3 =	vor.u32 v14, v19;
	v14 =	vor.u32 v16, v24;
	v10 =	vor.u32 v10, v17  }
0x1ae: {  	v15 =	vand.u32 $0x7FFFF800, v26;
	v8 =	vand.u32 $0x7FFFF800, v8;
	v5 =	vand.u32 $0x7FFFF800, v5  }
0x1af: {  	v16 =	vand.u32 $0x7FFFF800, v18;
	v4 =	vand.u32 $0x7FFFF800, v4;
	v9 =	vand.u32 $0x7FFFF800, v9  }
0x1b0: {  	v17 =	vshll.u32 v7, $0x1;
	v18 =	vshll.u32 v23, $0x1;
	v19 =	vshll.u32 v27, $0x1;
	[tilespmem:v12+s29+$0x0] =	vst.idx.msk $0xffff, v20  }
0x1b1: {  	v21 =	vshll.u32 v33, $0x1;
	v12 =	vshll.u32 v30, $0x1;
	v20 =	vshll.u32 v32, $0x1  }
0x1b2: {  	v2 =	vor.u32 v15, v2;
	v15 =	vand.u32 $0x7FFFF800, v22;
	v22 =	vshll.u32 v6, $0x1  }
0x1b3: {  	v11 =	vor.u32 v8, v11;
	v13 =	vor.u32 v5, v13;
	v1 =	vor.u32 v9, v1  }
.Ltmp4:
0x1b4: {  	v16 =	vor.u32 v16, v3;
	v7 =	vor.u32 v4, v14;
	v6 =	vor.u32 v15, v10;
	(pc) =	sbr.rel @p0 .LBB2_10-.Ltmp4, $4  }
0x1b5: {  	v3 =	vand.u32 $0x380, v17;
	v4 =	vand.u32 $0x380, v18;
	v10 =	vand.u32 $0x380, v19  }
0x1b6: {  	v8 =	vand.u32 $0x380, v21;
	v12 =	vand.u32 $0x380, v12;
	v14 =	vand.u32 $0x380, v20  }
0x1b7: {  	v5 =	vor.u32 v3, v2;
	v4 =	vor.u32 v4, v11;
	v9 =	vand.u32 $0x380, v22  }
0x1b8: {  	s6 =	sadd.s32 $0x80, s6;
	v3 =	vor.u32 v10, v13;
	v2 =	vor.u32 v12, v1;
	v1 =	vor.u32 v14, v16  }
0x1b9: {  	_ =	sdelay $0x3  }
0x1ba: {  	v7 =	vor.u32 v8, v7;
	v8 =	vld.idx.msk [tilespmem:v5+s22+$0x0], $0xffff  }
0x1bb: {  	v6 =	vor.u32 v9, v6;
	v9 =	vld.idx.msk [tilespmem:v4+s22+$0x0], $0xffff;
	s5 =	simm.s32 $0x60  }
0x1bc: {  	v10 =	vld.idx.msk [tilespmem:v3+s22+$0x0], $0xffff;
	s6 =	simm.s32 $0x70;
	v13 =	vor.u32 s5, v0  }
0x1bd: {  	v11 =	vld.idx.msk [tilespmem:v2+s22+$0x0], $0xffff;
	s9 =	simm.s32 $0x0;
	v15 =	vor.u32 s6, v0;
	v17 =	vmulhi.u32 $0x51EB851F, v13  }
0x1be: {  	v12 =	vld.idx.msk [tilespmem:v1+s22+$0x0], $0xffff;
	s7 =	simm.s32 $0x10;
	v22 =	vor.u32 s9, v0;
	v19 =	vmulhi.u32 $0x51EB851F, v15  }
0x1bf: {  	s8 =	simm.s32 $0x30;
	v16 =	vor.u32 s7, v0;
	s7 =	simm.s32 $0x20;
	v25 =	vmulhi.u32 $0x51EB851F, v22;
	v14 =	vld.idx.msk [tilespmem:v7+s22+$0x0], $0xffff  }
0x1c0: {  	v21 =	vor.u32 s8, v0;
	s8 =	simm.s32 $0x40;
	s9 =	simm.s32 $0x50;
	v20 =	vor.u32 s7, v0;
	v28 =	vmulhi.u32 $0x51EB851F, v16;
	v18 =	vld.idx.msk [tilespmem:v6+s22+$0x0], $0xffff  }
0x1c1: {  	v23 =	vor.u32 s8, v0;
	v27 =	vor.u32 s9, v0;
	v33 =	vmulhi.u32 $0x51EB851F, v21  }
0x1c2: {  	v63 =	vmulhi.u32 $0x51EB851F, v20;
	v24 =	vshrl.u32 v17, $0x6;
	v26 =	vshrl.u32 v19, $0x6;
	v8 =	vld.idx.msk [tilespmem:v8+s2+$0x0], $0xffff  }
0x1c3: {  	v29 =	vshrl.u32 v25, $0x6;
	v30 =	vshll.u32 v25, $0x2;
	v31 =	vshrl.u32 v28, $0x6;
	v9 =	vld.idx.msk [tilespmem:v9+s2+$0x0], $0xffff  }
0x1c4: {  	v34 =	vshll.u32 v17, $0x2;
	v17 =	vshll.u32 v17, $0x1;
	v43 =	vshll.u32 v28, $0x2;
	v10 =	vld.idx.msk [tilespmem:v10+s2+$0x0], $0xffff  }
0x1c5: {  	v46 =	vshll.u32 v33, $0x2;
	v48 =	vshll.u32 v19, $0x2;
	v54 =	vshll.u32 v25, $0x1;
	v11 =	vld.idx.msk [tilespmem:v11+s2+$0x0], $0xffff  }
0x1c6: {  	v55 =	vshll.u32 v28, $0x1;
	v57 =	vshll.u32 v33, $0x1;
	v19 =	vshll.u32 v19, $0x1;
	v12 =	vld.idx.msk [tilespmem:v12+s2+$0x0], $0xffff  }
0x1c7: {  	v24 =	vmul.u32 $0xFFFFFF38, v24;
	v26 =	vmul.u32 $0xFFFFFF38, v26;
	v35 =	vand.u32 $0x380, v17;
	[tilespmem:v5+s29+$0x0] =	vst.idx.msk $0xffff, v8;
	v5 =	vld.idx.msk [tilespmem:v14+s2+$0x0], $0xffff  }
0x1c8: {  	v36 =	vmul.u32 $0xFFFFFF38, v31;
	v45 =	vshll.u32 v63, $0x2;
	v49 =	vand.u32 $0x7FFFF800, v30;
	[tilespmem:v4+s29+$0x0] =	vst.idx.msk $0xffff, v9;
	v4 =	vld.idx.msk [tilespmem:v18+s2+$0x0], $0xffff  }
0x1c9: {  	v50 =	vand.u32 $0x7FFFF800, v43;
	v52 =	vand.u32 $0x7FFFF800, v46;
	v13 =	vadd.s32 v13, v24;
	[tilespmem:v3+s29+$0x0] =	vst.idx.msk $0xffff, v10  }
0x1ca: {  	v56 =	vshll.u32 v63, $0x1;
	v58 =	vand.u32 $0x7FFFF800, v48;
	v32 =	vshll.u32 v13, $0x3;
	[tilespmem:v2+s29+$0x0] =	vst.idx.msk $0xffff, v11  }
0x1cb: {  	v62 =	vand.u32 $0x380, v57;
	v13 =	vand.u32 $0x7F, v13;
	v32 =	vand.u32 $0x400, v32;
	[tilespmem:v1+s29+$0x0] =	vst.idx.msk $0xffff, v12  }
0x1cc: {  	v51 =	vand.u32 $0x7FFFF800, v45;
	v61 =	vand.u32 $0x380, v56;
	v13 =	vor.u32 v13, v32;
	[tilespmem:v7+s29+$0x0] =	vst.idx.msk $0xffff, v5  }
0x1cd: {  	v8 =	vshrl.u32 v63, $0x6;
	v9 =	vmulhi.u32 $0x51EB851F, v23;
	v14 =	vand.u32 $0x7FFFF800, v34;
	[tilespmem:v6+s29+$0x0] =	vst.idx.msk $0xffff, v4  }
0x1ce: {  	v10 =	vmulhi.u32 $0x51EB851F, v27;
	v2 =	vshrl.u32 v33, $0x6;
	v1 =	vmul.u32 $0xFFFFFF38, v29;
	[hbm4b:s15+s2] =	stream.linear.scatter [tilespmem:s29], [sflag:$0x6], $0x1000, $0x38;
	[tilespmem:$0x1E700] =	vst v63  }
0x1cf: {  	v3 =	vor.u32 v14, v13;
	v2 =	vmul.u32 $0xFFFFFF38, v2;
	v11 =	vshrl.u32 v9, $0x6  }
0x1d0: {  	v3 =	vor.u32 v35, v3;
	v37 =	vshrl.u32 v10, $0x6;
	v1 =	vadd.s32 v22, v1;
	[tilespmem:s22], [sflag:$0x3] =	stream.linear.gather [hbm4b:s16+s2], $0x1000, $0x38;
	[tilespmem:$0x1E700] =	vst v63  }
0x1d1: {  	v47 =	vshll.u32 v9, $0x2;
	v9 =	vshll.u32 v9, $0x1;
	v2 =	vadd.s32 v21, v2;
	_ =	swait.ge [sflag:s30], $0x1000  }
0x1d2: {  	v53 =	vand.u32 $0x7FFFF800, v47;
	v63 =	vand.u32 $0x380, v9;
	v9 =	vand.u32 $0x380, v19;
	[sflag:s30] =	ssyncset.done $0x0  }
0x1d3: {  	v39 =	vshll.u32 v2, $0x3;
	v2 =	vand.u32 $0x7F, v2;
	v5 =	vmul.u32 $0xFFFFFF38, v8;
	[sflag:s30] =	ssyncadd.s32 $0xFFFFF000  }
0x1d4: {  	v7 =	vmul.u32 $0xFFFFFF38, v11;
	v4 =	vadd.s32 v16, v36;
	v6 =	vmul.u32 $0xFFFFFF38, v37;
	_ =	swait.ge [sflag:s1], $0x1000  }
0x1d5: {  	v8 =	vshll.u32 v1, $0x3;
	v11 =	vadd.s32 v15, v26;
	v14 =	vand.u32 $0x400, v39;
	[sflag:s1] =	ssyncset.done $0x0  }
0x1d6: {  	v1 =	vand.u32 $0x7F, v1;
	v12 =	vshll.u32 v4, $0x3;
	v42 =	vshll.u32 v11, $0x3;
	[sflag:s1] =	ssyncadd.s32 $0xFFFFF000  }
0x1d7: {  	v8 =	vand.u32 $0x400, v8;
	v4 =	vand.u32 $0x7F, v4;
	v11 =	vand.u32 $0x7F, v11;
	v44 =	vld.idx.msk [tilespmem:v3+s23+$0x0], $0xffff  }
0x1d8: {  	v2 =	vor.u32 v2, v14;
	v5 =	vadd.s32 v20, v5;
	v7 =	vadd.s32 v23, v7  }
0x1d9: {  	v6 =	vadd.s32 v27, v6;
	v12 =	vand.u32 $0x400, v12;
	v17 =	vand.u32 $0x400, v42  }
0x1da: {  	v1 =	vor.u32 v1, v8;
	v8 =	vshll.u32 v10, $0x2;
	v10 =	vshll.u32 v10, $0x1  }
0x1db: {  	v2 =	vor.u32 v52, v2;
	v38 =	vshll.u32 v5, $0x3;
	v40 =	vshll.u32 v7, $0x3  }
0x1dc: {  	v41 =	vshll.u32 v6, $0x3;
	v5 =	vand.u32 $0x7F, v5;
	v7 =	vand.u32 $0x7F, v7  }
0x1dd: {  	v6 =	vand.u32 $0x7F, v6;
	v4 =	vor.u32 v4, v12;
	v11 =	vor.u32 v11, v17  }
0x1de: {  	v8 =	vand.u32 $0x7FFFF800, v8;
	v1 =	vor.u32 v49, v1;
	v13 =	vand.u32 $0x400, v38  }
0x1df: {  	v15 =	vand.u32 $0x400, v40;
	v16 =	vand.u32 $0x400, v41;
	v4 =	vor.u32 v50, v4;
	v20 =	vld.idx.msk [tilespmem:v44+s2+$0x0], $0xffff  }
0x1e0: {  	v5 =	vor.u32 v5, v13;
	v7 =	vor.u32 v7, v15;
	v6 =	vor.u32 v6, v16  }
0x1e1: {  	v59 =	vor.u32 v51, v5;
	v60 =	vor.u32 v53, v7;
	v7 =	vor.u32 v8, v6  }
0x1e2: {  	v6 =	vor.u32 v58, v11;
	v5 =	vand.u32 $0x380, v54;
	v11 =	vand.u32 $0x380, v55  }
0x1e3: {  	v2 =	vor.u32 v62, v2;
	v5 =	vor.u32 v5, v1;
	v4 =	vor.u32 v11, v4  }
0x1e4: {  	s5 =	simm.s32 $0x0;
	s6 =	simm.s32 $0xF0;
	v8 =	vand.u32 $0x380, v10;
	v1 =	vor.u32 v63, v60;
	[tilespmem:v3+s31+$0x0] =	vst.idx.msk $0xffff, v20;
	v3 =	vor.u32 v61, v59  }
.LBB2_12:
0x1e5: {  	s7 =	sadd.s32 $0xFFFFFFA0, s6;
	s8 =	sadd.s32 $0xFFFFFFF0, s6;
	v10 =	vor.u32 s6, v0;
	s5 =	sadd.s32 $0x8, s5;
	v8 =	vor.u32 v8, v7;
	v9 =	vor.u32 v9, v6  }
0x1e6: {  	s9 =	sadd.s32 $0xFFFFFFC0, s6;
	v11 =	vor.u32 s7, v0;
	s7 =	sadd.s32 $0xFFFFFFB0, s6;
	v12 =	vor.u32 s8, v0;
	v6 =	vmulhi.u32 $0x51EB851F, v10;
	p0 =	slt.u32 s5, $0xC0  }
0x1e7: {  	s8 =	sadd.s32 $0xFFFFFF90, s6;
	v14 =	vor.u32 s9, v0;
	s9 =	sadd.s32 $0xFFFFFFE0, s6;
	v13 =	vor.u32 s7, v0;
	s7 =	sadd.s32 $0xFFFFFFD0, s6;
	v15 =	vmulhi.u32 $0x51EB851F, v12  }
0x1e8: {  	v16 =	vor.u32 s8, v0;
	v18 =	vor.u32 s9, v0;
	v17 =	vor.u32 s7, v0;
	v19 =	vld.idx.msk [tilespmem:v5+s23+$0x0], $0xffff  }
0x1e9: {  	v7 =	vmulhi.u32 $0x51EB851F, v16;
	v21 =	vshrl.u32 v6, $0x6;
	v20 =	vshrl.u32 v15, $0x6;
	v22 =	vld.idx.msk [tilespmem:v4+s23+$0x0], $0xffff  }
0x1ea: {  	v23 =	vmulhi.u32 $0x51EB851F, v11;
	v21 =	vmul.u32 $0xFFFFFF38, v21;
	v20 =	vmul.u32 $0xFFFFFF38, v20;
	v24 =	vld.idx.msk [tilespmem:v3+s23+$0x0], $0xffff  }
0x1eb: {  	v27 =	vmulhi.u32 $0x51EB851F, v13;
	v25 =	vshrl.u32 v7, $0x6;
	v26 =	vshll.u32 v7, $0x2;
	v28 =	vld.idx.msk [tilespmem:v2+s23+$0x0], $0xffff  }
0x1ec: {  	v30 =	vmulhi.u32 $0x51EB851F, v14;
	v29 =	vshrl.u32 v23, $0x6;
	v12 =	vadd.s32 v12, v20;
	v20 =	vld.idx.msk [tilespmem:v1+s23+$0x0], $0xffff  }
0x1ed: {  	v32 =	vmulhi.u32 $0x51EB851F, v17;
	v31 =	vshrl.u32 v27, $0x6;
	v33 =	vshll.u32 v12, $0x3;
	v34 =	vld.idx.msk [tilespmem:v8+s23+$0x0], $0xffff  }
0x1ee: {  	v35 =	vshll.u32 v15, $0x2;
	v12 =	vand.u32 $0x7F, v12;
	v33 =	vand.u32 $0x400, v33;
	v36 =	vld.idx.msk [tilespmem:v9+s23+$0x0], $0xffff  }
0x1ef: {  	v15 =	vshll.u32 v15, $0x1;
	v35 =	vand.u32 $0x7FFFF800, v35;
	v12 =	vor.u32 v12, v33  }
0x1f0: {  	v15 =	vand.u32 $0x380, v15;
	v33 =	vmulhi.u32 $0x51EB851F, v18;
	v12 =	vor.u32 v35, v12;
	v19 =	vld.idx.msk [tilespmem:v19+s2+$0x0], $0xffff  }
0x1f1: {  	v37 =	vshrl.u32 v32, $0x6;
	v35 =	vshrl.u32 v30, $0x6;
	v12 =	vor.u32 v15, v12;
	v15 =	vld.idx.msk [tilespmem:v22+s2+$0x0], $0xffff  }
0x1f2: {  	v22 =	vmul.u32 $0xFFFFFF38, v25;
	v25 =	vmul.u32 $0xFFFFFF38, v29;
	v29 =	vshrl.u32 v33, $0x6;
	v24 =	vld.idx.msk [tilespmem:v24+s2+$0x0], $0xffff  }
0x1f3: {  	v31 =	vmul.u32 $0xFFFFFF38, v31;
	v37 =	vmul.u32 $0xFFFFFF38, v37;
	v35 =	vmul.u32 $0xFFFFFF38, v35;
	v28 =	vld.idx.msk [tilespmem:v28+s2+$0x0], $0xffff  }
0x1f4: {  	v16 =	vadd.s32 v16, v22;
	v11 =	vadd.s32 v11, v25;
	v22 =	vmul.u32 $0xFFFFFF38, v29;
	v20 =	vld.idx.msk [tilespmem:v20+s2+$0x0], $0xffff  }
0x1f5: {  	v13 =	vadd.s32 v13, v31;
	v17 =	vadd.s32 v17, v37;
	v14 =	vadd.s32 v14, v35;
	v25 =	vld.idx.msk [tilespmem:v34+s2+$0x0], $0xffff  }
0x1f6: {  	v10 =	vadd.s32 v10, v21;
	v29 =	vshll.u32 v16, $0x3;
	v18 =	vadd.s32 v18, v22;
	v22 =	vld.idx.msk [tilespmem:v12+s23+$0x0], $0xffff  }
0x1f7: {  	v31 =	vshll.u32 v13, $0x3;
	v21 =	vshll.u32 v11, $0x3;
	v34 =	vshll.u32 v14, $0x3;
	[tilespmem:v5+s31+$0x0] =	vst.idx.msk $0xffff, v19;
	v5 =	vld.idx.msk [tilespmem:v36+s2+$0x0], $0xffff  }
0x1f8: {  	v35 =	vshll.u32 v18, $0x3;
	v19 =	vshll.u32 v17, $0x3;
	v36 =	vshll.u32 v10, $0x3;
	[tilespmem:v4+s31+$0x0] =	vst.idx.msk $0xffff, v15  }
0x1f9: {  	v4 =	vand.u32 $0x400, v29;
	v15 =	vand.u32 $0x400, v21;
	v21 =	vand.u32 $0x400, v31;
	[tilespmem:v3+s31+$0x0] =	vst.idx.msk $0xffff, v24  }
0x1fa: {  	v19 =	vand.u32 $0x400, v19;
	v3 =	vand.u32 $0x400, v34;
	v24 =	vand.u32 $0x400, v35;
	[tilespmem:v2+s31+$0x0] =	vst.idx.msk $0xffff, v28  }
0x1fb: {  	v13 =	vand.u32 $0x7F, v13;
	v11 =	vand.u32 $0x7F, v11;
	v2 =	vand.u32 $0x7F, v16;
	[tilespmem:v1+s31+$0x0] =	vst.idx.msk $0xffff, v20  }
0x1fc: {  	v16 =	vand.u32 $0x7F, v18;
	v1 =	vand.u32 $0x7F, v14;
	v14 =	vand.u32 $0x7F, v17;
	[tilespmem:v8+s31+$0x0] =	vst.idx.msk $0xffff, v25  }
0x1fd: {  	v10 =	vand.u32 $0x7F, v10;
	v17 =	vand.u32 $0x400, v36;
	v8 =	vshll.u32 v23, $0x2;
	[tilespmem:v9+s31+$0x0] =	vst.idx.msk $0xffff, v5  }
0x1fe: {  	v18 =	vshll.u32 v32, $0x2;
	v5 =	vshll.u32 v27, $0x2;
	v9 =	vshll.u32 v30, $0x2;
	v20 =	vld.idx.msk [tilespmem:v22+s2+$0x0], $0xffff  }
0x1ff: {  	v2 =	vor.u32 v2, v4;
	v4 =	vshll.u32 v33, $0x2;
	v22 =	vshll.u32 v6, $0x2  }
0x200: {  	v11 =	vor.u32 v11, v15;
	v13 =	vor.u32 v13, v21;
	v1 =	vor.u32 v1, v3  }
0x201: {  	v3 =	vor.u32 v14, v19;
	v14 =	vor.u32 v16, v24;
	v10 =	vor.u32 v10, v17  }
0x202: {  	v15 =	vand.u32 $0x7FFFF800, v26;
	v8 =	vand.u32 $0x7FFFF800, v8;
	v5 =	vand.u32 $0x7FFFF800, v5  }
0x203: {  	v16 =	vand.u32 $0x7FFFF800, v18;
	v4 =	vand.u32 $0x7FFFF800, v4;
	v9 =	vand.u32 $0x7FFFF800, v9  }
0x204: {  	v17 =	vshll.u32 v7, $0x1;
	v18 =	vshll.u32 v23, $0x1;
	v19 =	vshll.u32 v27, $0x1;
	[tilespmem:v12+s31+$0x0] =	vst.idx.msk $0xffff, v20  }
0x205: {  	v21 =	vshll.u32 v33, $0x1;
	v12 =	vshll.u32 v30, $0x1;
	v20 =	vshll.u32 v32, $0x1  }
0x206: {  	v2 =	vor.u32 v15, v2;
	v15 =	vand.u32 $0x7FFFF800, v22;
	v22 =	vshll.u32 v6, $0x1  }
0x207: {  	v11 =	vor.u32 v8, v11;
	v13 =	vor.u32 v5, v13;
	v1 =	vor.u32 v9, v1  }
.Ltmp5:
0x208: {  	v16 =	vor.u32 v16, v3;
	v7 =	vor.u32 v4, v14;
	v6 =	vor.u32 v15, v10;
	(pc) =	sbr.rel @p0 .LBB2_12-.Ltmp5, $4  }
0x209: {  	v3 =	vand.u32 $0x380, v17;
	v4 =	vand.u32 $0x380, v18;
	v10 =	vand.u32 $0x380, v19  }
0x20a: {  	v8 =	vand.u32 $0x380, v21;
	v12 =	vand.u32 $0x380, v12;
	v14 =	vand.u32 $0x380, v20  }
0x20b: {  	v5 =	vor.u32 v3, v2;
	v4 =	vor.u32 v4, v11;
	v9 =	vand.u32 $0x380, v22  }
0x20c: {  	s6 =	sadd.s32 $0x80, s6;
	v3 =	vor.u32 v10, v13;
	v2 =	vor.u32 v12, v1;
	v1 =	vor.u32 v14, v16  }
0x20d: {  	_ =	sdelay $0x2  }
0x20e: {  	s5 =	simm.s32 $0x60  }
0x20f: {  	v7 =	vor.u32 v8, v7;
	v8 =	vld.idx.msk [tilespmem:v5+s23+$0x0], $0xffff;
	s6 =	simm.s32 $0x70;
	v12 =	vor.u32 s5, v0  }
0x210: {  	v6 =	vor.u32 v9, v6;
	v9 =	vld.idx.msk [tilespmem:v3+s23+$0x0], $0xffff;
	s9 =	simm.s32 $0x0;
	v14 =	vor.u32 s6, v0;
	v16 =	vmulhi.u32 $0x51EB851F, v12  }
0x211: {  	v10 =	vld.idx.msk [tilespmem:v4+s23+$0x0], $0xffff;
	s7 =	simm.s32 $0x10;
	v21 =	vor.u32 s9, v0;
	v18 =	vmulhi.u32 $0x51EB851F, v14  }
0x212: {  	v11 =	vld.idx.msk [tilespmem:v2+s23+$0x0], $0xffff;
	s8 =	simm.s32 $0x30;
	v15 =	vor.u32 s7, v0;
	s7 =	simm.s32 $0x20;
	v25 =	vmulhi.u32 $0x51EB851F, v21  }
0x213: {  	v13 =	vld.idx.msk [tilespmem:v1+s23+$0x0], $0xffff;
	v20 =	vor.u32 s8, v0;
	s8 =	simm.s32 $0x40;
	s9 =	simm.s32 $0x50;
	v19 =	vor.u32 s7, v0;
	v28 =	vmulhi.u32 $0x51EB851F, v15  }
0x214: {  	v22 =	vor.u32 s8, v0;
	v27 =	vor.u32 s9, v0;
	v33 =	vmulhi.u32 $0x51EB851F, v20;
	v17 =	vld.idx.msk [tilespmem:v7+s23+$0x0], $0xffff  }
0x215: {  	v62 =	vmulhi.u32 $0x51EB851F, v19;
	v23 =	vshrl.u32 v16, $0x6;
	v26 =	vshrl.u32 v18, $0x6;
	v24 =	vld.idx.msk [tilespmem:v6+s23+$0x0], $0xffff  }
0x216: {  	v29 =	vshrl.u32 v25, $0x6;
	v30 =	vshll.u32 v25, $0x2;
	v31 =	vshrl.u32 v28, $0x6  }
0x217: {  	v63 =	vshll.u32 v16, $0x2;
	v16 =	vshll.u32 v16, $0x1;
	v44 =	vshll.u32 v28, $0x2;
	v8 =	vld.idx.msk [tilespmem:v8+s2+$0x0], $0xffff  }
0x218: {  	v47 =	vshll.u32 v33, $0x2;
	v49 =	vshll.u32 v18, $0x2;
	v55 =	vshll.u32 v25, $0x1;
	v9 =	vld.idx.msk [tilespmem:v9+s2+$0x0], $0xffff  }
0x219: {  	v56 =	vshll.u32 v28, $0x1;
	v58 =	vshll.u32 v33, $0x1;
	v18 =	vshll.u32 v18, $0x1;
	v10 =	vld.idx.msk [tilespmem:v10+s2+$0x0], $0xffff  }
0x21a: {  	v23 =	vmul.u32 $0xFFFFFF38, v23;
	v26 =	vmul.u32 $0xFFFFFF38, v26;
	v34 =	vshrl.u32 v62, $0x6;
	v11 =	vld.idx.msk [tilespmem:v11+s2+$0x0], $0xffff  }
0x21b: {  	v35 =	vand.u32 $0x380, v16;
	v46 =	vshll.u32 v62, $0x2;
	v51 =	vand.u32 $0x7FFFF800, v44;
	v13 =	vld.idx.msk [tilespmem:v13+s2+$0x0], $0xffff  }
0x21c: {  	v53 =	vand.u32 $0x7FFFF800, v47;
	v57 =	vshll.u32 v62, $0x1;
	v12 =	vadd.s32 v12, v23;
	[tilespmem:v5+s31+$0x0] =	vst.idx.msk $0xffff, v8;
	v5 =	vld.idx.msk [tilespmem:v17+s2+$0x0], $0xffff  }
0x21d: {  	v59 =	vand.u32 $0x7FFFF800, v49;
	v62 =	vand.u32 $0x380, v58;
	v32 =	vshll.u32 v12, $0x3;
	[tilespmem:v3+s31+$0x0] =	vst.idx.msk $0xffff, v9;
	v3 =	vld.idx.msk [tilespmem:v24+s2+$0x0], $0xffff  }
0x21e: {  	v52 =	vand.u32 $0x7FFFF800, v46;
	v12 =	vand.u32 $0x7F, v12;
	v32 =	vand.u32 $0x400, v32;
	[tilespmem:v4+s31+$0x0] =	vst.idx.msk $0xffff, v10  }
0x21f: {  	v12 =	vor.u32 v12, v32;
	v32 =	vand.u32 $0x7FFFF800, v63;
	v8 =	vmulhi.u32 $0x51EB851F, v22;
	[tilespmem:v2+s31+$0x0] =	vst.idx.msk $0xffff, v11  }
0x220: {  	v61 =	vand.u32 $0x380, v57;
	v4 =	vor.u32 v32, v12;
	v10 =	vmulhi.u32 $0x51EB851F, v27;
	[tilespmem:v1+s31+$0x0] =	vst.idx.msk $0xffff, v13  }
0x221: {  	v9 =	vshrl.u32 v33, $0x6;
	v2 =	vmul.u32 $0xFFFFFF38, v29;
	v11 =	vmul.u32 $0xFFFFFF38, v31;
	[tilespmem:v7+s31+$0x0] =	vst.idx.msk $0xffff, v5  }
0x222: {  	v1 =	vmul.u32 $0xFFFFFF38, v34;
	v4 =	vor.u32 v35, v4;
	v9 =	vmul.u32 $0xFFFFFF38, v9;
	[tilespmem:v6+s31+$0x0] =	vst.idx.msk $0xffff, v3  }
0x223: {  	v36 =	vshrl.u32 v8, $0x6;
	v37 =	vshrl.u32 v10, $0x6;
	v2 =	vadd.s32 v21, v2;
	[hbm4b:s17+s2] =	stream.linear.scatter [tilespmem:s31], [sflag:$0x7], $0x1000, $0x38;
	[tilespmem:$0x1E700] =	vst v63  }
0x224: {  	v1 =	vadd.s32 v19, v1;
	v48 =	vshll.u32 v8, $0x2;
	v8 =	vshll.u32 v8, $0x1;
	_ =	swait.ge [sflag:s24], $0x1000  }
0x225: {  	v12 =	vmul.u32 $0xFFFFFF38, v36;
	v9 =	vadd.s32 v20, v9;
	v39 =	vshll.u32 v1, $0x3;
	[sflag:s24] =	ssyncset.done $0x0  }
0x226: {  	v1 =	vand.u32 $0x7F, v1;
	v54 =	vand.u32 $0x7FFFF800, v48;
	v63 =	vand.u32 $0x380, v8;
	[sflag:s24] =	ssyncadd.s32 $0xFFFFF000  }
0x227: {  	v40 =	vshll.u32 v9, $0x3;
	v13 =	vand.u32 $0x400, v39;
	v9 =	vand.u32 $0x7F, v9;
	_ =	swait.ge [sflag:s0], $0x1000  }
0x228: {  	v5 =	vadd.s32 v15, v11;
	v7 =	vmul.u32 $0xFFFFFF38, v37;
	v11 =	vadd.s32 v22, v12;
	[sflag:s0] =	ssyncset.done $0x0  }
0x229: {  	v3 =	vshll.u32 v2, $0x3;
	v2 =	vand.u32 $0x7F, v2;
	v1 =	vor.u32 v1, v13;
	[sflag:s0] =	ssyncadd.s32 $0xFFFFF000  }
0x22a: {  	v38 =	vshll.u32 v5, $0x3;
	v41 =	vshll.u32 v11, $0x3;
	v3 =	vand.u32 $0x400, v3;
	v45 =	vld.idx.msk [tilespmem:v4+s21+$0x0], $0xffff  }
0x22b: {  	v5 =	vand.u32 $0x7F, v5;
	v11 =	vand.u32 $0x7F, v11;
	v1 =	vor.u32 v52, v1  }
0x22c: {  	v6 =	vadd.s32 v27, v7;
	v7 =	vadd.s32 v14, v26;
	v12 =	vand.u32 $0x400, v38  }
0x22d: {  	v14 =	vand.u32 $0x400, v40;
	v15 =	vand.u32 $0x400, v41;
	v2 =	vor.u32 v2, v3  }
0x22e: {  	v3 =	vshll.u32 v10, $0x2;
	v10 =	vshll.u32 v10, $0x1;
	v42 =	vshll.u32 v6, $0x3  }
0x22f: {  	v43 =	vshll.u32 v7, $0x3;
	v6 =	vand.u32 $0x7F, v6;
	v7 =	vand.u32 $0x7F, v7  }
0x230: {  	v5 =	vor.u32 v5, v12;
	v9 =	vor.u32 v9, v14;
	v11 =	vor.u32 v11, v15  }
0x231: {  	v3 =	vand.u32 $0x7FFFF800, v3;
	v8 =	vand.u32 $0x380, v10;
	v16 =	vand.u32 $0x400, v42  }
0x232: {  	v17 =	vand.u32 $0x400, v43;
	v13 =	vor.u32 v51, v5;
	v60 =	vor.u32 v53, v9;
	v20 =	vld.idx.msk [tilespmem:v45+s2+$0x0], $0xffff  }
0x233: {  	v11 =	vor.u32 v54, v11;
	v50 =	vor.u32 v7, v17;
	v7 =	vand.u32 $0x7FFFF800, v30  }
0x234: {  	v9 =	vand.u32 $0x380, v56;
	v6 =	vor.u32 v6, v16;
	v2 =	vor.u32 v7, v2  }
0x235: {  	v7 =	vor.u32 v3, v6;
	v6 =	vor.u32 v59, v50;
	v3 =	vand.u32 $0x380, v55  }
0x236: {  	v5 =	vor.u32 v3, v2;
	v3 =	vor.u32 v61, v1;
	v2 =	vor.u32 v62, v60  }
0x237: {  	s5 =	simm.s32 $0x0;
	s6 =	simm.s32 $0xF0;
	v1 =	vor.u32 v63, v11;
	[tilespmem:v4+s26+$0x0] =	vst.idx.msk $0xffff, v20;
	v4 =	vor.u32 v9, v13;
	v9 =	vand.u32 $0x380, v18  }
.LBB2_14:
0x238: {  	s7 =	sadd.s32 $0xFFFFFFA0, s6;
	s8 =	sadd.s32 $0xFFFFFFF0, s6;
	v10 =	vor.u32 s6, v0;
	s5 =	sadd.s32 $0x8, s5;
	v8 =	vor.u32 v8, v7;
	v9 =	vor.u32 v9, v6  }
0x239: {  	s9 =	sadd.s32 $0xFFFFFFC0, s6;
	v11 =	vor.u32 s7, v0;
	s7 =	sadd.s32 $0xFFFFFFB0, s6;
	v12 =	vor.u32 s8, v0;
	v6 =	vmulhi.u32 $0x51EB851F, v10;
	p0 =	slt.u32 s5, $0xC0  }
0x23a: {  	s8 =	sadd.s32 $0xFFFFFF90, s6;
	v14 =	vor.u32 s9, v0;
	s9 =	sadd.s32 $0xFFFFFFE0, s6;
	v13 =	vor.u32 s7, v0;
	s7 =	sadd.s32 $0xFFFFFFD0, s6;
	v15 =	vmulhi.u32 $0x51EB851F, v12  }
0x23b: {  	v16 =	vor.u32 s8, v0;
	v18 =	vor.u32 s9, v0;
	v17 =	vor.u32 s7, v0;
	v19 =	vld.idx.msk [tilespmem:v5+s21+$0x0], $0xffff  }
0x23c: {  	v7 =	vmulhi.u32 $0x51EB851F, v16;
	v21 =	vshrl.u32 v6, $0x6;
	v20 =	vshrl.u32 v15, $0x6;
	v22 =	vld.idx.msk [tilespmem:v4+s21+$0x0], $0xffff  }
0x23d: {  	v23 =	vmulhi.u32 $0x51EB851F, v11;
	v21 =	vmul.u32 $0xFFFFFF38, v21;
	v20 =	vmul.u32 $0xFFFFFF38, v20;
	v24 =	vld.idx.msk [tilespmem:v3+s21+$0x0], $0xffff  }
0x23e: {  	v27 =	vmulhi.u32 $0x51EB851F, v13;
	v25 =	vshrl.u32 v7, $0x6;
	v26 =	vshll.u32 v7, $0x2;
	v28 =	vld.idx.msk [tilespmem:v2+s21+$0x0], $0xffff  }
0x23f: {  	v30 =	vmulhi.u32 $0x51EB851F, v14;
	v29 =	vshrl.u32 v23, $0x6;
	v12 =	vadd.s32 v12, v20;
	v20 =	vld.idx.msk [tilespmem:v1+s21+$0x0], $0xffff  }
0x240: {  	v32 =	vmulhi.u32 $0x51EB851F, v17;
	v31 =	vshrl.u32 v27, $0x6;
	v33 =	vshll.u32 v12, $0x3;
	v34 =	vld.idx.msk [tilespmem:v8+s21+$0x0], $0xffff  }
0x241: {  	v35 =	vshll.u32 v15, $0x2;
	v12 =	vand.u32 $0x7F, v12;
	v33 =	vand.u32 $0x400, v33;
	v36 =	vld.idx.msk [tilespmem:v9+s21+$0x0], $0xffff  }
0x242: {  	v15 =	vshll.u32 v15, $0x1;
	v35 =	vand.u32 $0x7FFFF800, v35;
	v12 =	vor.u32 v12, v33  }
0x243: {  	v15 =	vand.u32 $0x380, v15;
	v33 =	vmulhi.u32 $0x51EB851F, v18;
	v12 =	vor.u32 v35, v12;
	v19 =	vld.idx.msk [tilespmem:v19+s2+$0x0], $0xffff  }
0x244: {  	v37 =	vshrl.u32 v32, $0x6;
	v35 =	vshrl.u32 v30, $0x6;
	v12 =	vor.u32 v15, v12;
	v15 =	vld.idx.msk [tilespmem:v22+s2+$0x0], $0xffff  }
0x245: {  	v22 =	vmul.u32 $0xFFFFFF38, v25;
	v25 =	vmul.u32 $0xFFFFFF38, v29;
	v29 =	vshrl.u32 v33, $0x6;
	v24 =	vld.idx.msk [tilespmem:v24+s2+$0x0], $0xffff  }
0x246: {  	v31 =	vmul.u32 $0xFFFFFF38, v31;
	v37 =	vmul.u32 $0xFFFFFF38, v37;
	v35 =	vmul.u32 $0xFFFFFF38, v35;
	v28 =	vld.idx.msk [tilespmem:v28+s2+$0x0], $0xffff  }
0x247: {  	v16 =	vadd.s32 v16, v22;
	v11 =	vadd.s32 v11, v25;
	v22 =	vmul.u32 $0xFFFFFF38, v29;
	v20 =	vld.idx.msk [tilespmem:v20+s2+$0x0], $0xffff  }
0x248: {  	v13 =	vadd.s32 v13, v31;
	v17 =	vadd.s32 v17, v37;
	v14 =	vadd.s32 v14, v35;
	v25 =	vld.idx.msk [tilespmem:v34+s2+$0x0], $0xffff  }
0x249: {  	v10 =	vadd.s32 v10, v21;
	v29 =	vshll.u32 v16, $0x3;
	v18 =	vadd.s32 v18, v22;
	v22 =	vld.idx.msk [tilespmem:v12+s21+$0x0], $0xffff  }
0x24a: {  	v31 =	vshll.u32 v13, $0x3;
	v21 =	vshll.u32 v11, $0x3;
	v34 =	vshll.u32 v14, $0x3;
	[tilespmem:v5+s26+$0x0] =	vst.idx.msk $0xffff, v19;
	v5 =	vld.idx.msk [tilespmem:v36+s2+$0x0], $0xffff  }
0x24b: {  	v35 =	vshll.u32 v18, $0x3;
	v19 =	vshll.u32 v17, $0x3;
	v36 =	vshll.u32 v10, $0x3;
	[tilespmem:v4+s26+$0x0] =	vst.idx.msk $0xffff, v15  }
0x24c: {  	v4 =	vand.u32 $0x400, v29;
	v15 =	vand.u32 $0x400, v21;
	v21 =	vand.u32 $0x400, v31;
	[tilespmem:v3+s26+$0x0] =	vst.idx.msk $0xffff, v24  }
0x24d: {  	v19 =	vand.u32 $0x400, v19;
	v3 =	vand.u32 $0x400, v34;
	v24 =	vand.u32 $0x400, v35;
	[tilespmem:v2+s26+$0x0] =	vst.idx.msk $0xffff, v28  }
0x24e: {  	v13 =	vand.u32 $0x7F, v13;
	v11 =	vand.u32 $0x7F, v11;
	v2 =	vand.u32 $0x7F, v16;
	[tilespmem:v1+s26+$0x0] =	vst.idx.msk $0xffff, v20  }
0x24f: {  	v16 =	vand.u32 $0x7F, v18;
	v1 =	vand.u32 $0x7F, v14;
	v14 =	vand.u32 $0x7F, v17;
	[tilespmem:v8+s26+$0x0] =	vst.idx.msk $0xffff, v25  }
0x250: {  	v10 =	vand.u32 $0x7F, v10;
	v17 =	vand.u32 $0x400, v36;
	v8 =	vshll.u32 v23, $0x2;
	[tilespmem:v9+s26+$0x0] =	vst.idx.msk $0xffff, v5  }
0x251: {  	v18 =	vshll.u32 v32, $0x2;
	v5 =	vshll.u32 v27, $0x2;
	v9 =	vshll.u32 v30, $0x2;
	v20 =	vld.idx.msk [tilespmem:v22+s2+$0x0], $0xffff  }
0x252: {  	v2 =	vor.u32 v2, v4;
	v4 =	vshll.u32 v33, $0x2;
	v22 =	vshll.u32 v6, $0x2  }
0x253: {  	v11 =	vor.u32 v11, v15;
	v13 =	vor.u32 v13, v21;
	v1 =	vor.u32 v1, v3  }
0x254: {  	v3 =	vor.u32 v14, v19;
	v14 =	vor.u32 v16, v24;
	v10 =	vor.u32 v10, v17  }
0x255: {  	v15 =	vand.u32 $0x7FFFF800, v26;
	v8 =	vand.u32 $0x7FFFF800, v8;
	v5 =	vand.u32 $0x7FFFF800, v5  }
0x256: {  	v16 =	vand.u32 $0x7FFFF800, v18;
	v4 =	vand.u32 $0x7FFFF800, v4;
	v9 =	vand.u32 $0x7FFFF800, v9  }
0x257: {  	v17 =	vshll.u32 v7, $0x1;
	v18 =	vshll.u32 v23, $0x1;
	v19 =	vshll.u32 v27, $0x1;
	[tilespmem:v12+s26+$0x0] =	vst.idx.msk $0xffff, v20  }
0x258: {  	v21 =	vshll.u32 v33, $0x1;
	v12 =	vshll.u32 v30, $0x1;
	v20 =	vshll.u32 v32, $0x1  }
0x259: {  	v2 =	vor.u32 v15, v2;
	v15 =	vand.u32 $0x7FFFF800, v22;
	v22 =	vshll.u32 v6, $0x1  }
0x25a: {  	v11 =	vor.u32 v8, v11;
	v13 =	vor.u32 v5, v13;
	v1 =	vor.u32 v9, v1  }
.Ltmp6:
0x25b: {  	v16 =	vor.u32 v16, v3;
	v7 =	vor.u32 v4, v14;
	v6 =	vor.u32 v15, v10;
	(pc) =	sbr.rel @p0 .LBB2_14-.Ltmp6, $4  }
0x25c: {  	v3 =	vand.u32 $0x380, v17;
	v4 =	vand.u32 $0x380, v18;
	v10 =	vand.u32 $0x380, v19  }
0x25d: {  	v8 =	vand.u32 $0x380, v21;
	v12 =	vand.u32 $0x380, v12;
	v14 =	vand.u32 $0x380, v20  }
0x25e: {  	v5 =	vor.u32 v3, v2;
	v4 =	vor.u32 v4, v11;
	v9 =	vand.u32 $0x380, v22  }
0x25f: {  	s6 =	sadd.s32 $0x80, s6;
	v3 =	vor.u32 v10, v13;
	v2 =	vor.u32 v12, v1;
	v1 =	vor.u32 v14, v16  }
0x260: {  	_ =	sdelay $0x2  }
0x261: {  	s5 =	simm.s32 $0x60  }
0x262: {  	v7 =	vor.u32 v8, v7;
	v8 =	vld.idx.msk [tilespmem:v5+s21+$0x0], $0xffff;
	s6 =	simm.s32 $0x70;
	v12 =	vor.u32 s5, v0  }
0x263: {  	v6 =	vor.u32 v9, v6;
	v9 =	vld.idx.msk [tilespmem:v3+s21+$0x0], $0xffff;
	s9 =	simm.s32 $0x0;
	v14 =	vor.u32 s6, v0;
	v16 =	vmulhi.u32 $0x51EB851F, v12  }
0x264: {  	v10 =	vld.idx.msk [tilespmem:v4+s21+$0x0], $0xffff;
	s7 =	simm.s32 $0x10;
	v21 =	vor.u32 s9, v0;
	v18 =	vmulhi.u32 $0x51EB851F, v14  }
0x265: {  	v11 =	vld.idx.msk [tilespmem:v2+s21+$0x0], $0xffff;
	s8 =	simm.s32 $0x30;
	v15 =	vor.u32 s7, v0;
	s7 =	simm.s32 $0x20;
	v25 =	vmulhi.u32 $0x51EB851F, v21  }
0x266: {  	v13 =	vld.idx.msk [tilespmem:v1+s21+$0x0], $0xffff;
	v20 =	vor.u32 s8, v0;
	s8 =	simm.s32 $0x40;
	s9 =	simm.s32 $0x50;
	v19 =	vor.u32 s7, v0;
	v28 =	vmulhi.u32 $0x51EB851F, v15  }
0x267: {  	v22 =	vor.u32 s8, v0;
	v27 =	vor.u32 s9, v0;
	v33 =	vmulhi.u32 $0x51EB851F, v20;
	v17 =	vld.idx.msk [tilespmem:v7+s21+$0x0], $0xffff  }
0x268: {  	v61 =	vmulhi.u32 $0x51EB851F, v19;
	v23 =	vshrl.u32 v16, $0x6;
	v26 =	vshrl.u32 v18, $0x6;
	v24 =	vld.idx.msk [tilespmem:v6+s21+$0x0], $0xffff  }
0x269: {  	v29 =	vshrl.u32 v25, $0x6;
	v30 =	vshll.u32 v25, $0x2;
	v31 =	vshrl.u32 v28, $0x6  }
0x26a: {  	v62 =	vshll.u32 v16, $0x2;
	v16 =	vshll.u32 v16, $0x1;
	v43 =	vshll.u32 v28, $0x2;
	v8 =	vld.idx.msk [tilespmem:v8+s2+$0x0], $0xffff  }
0x26b: {  	v46 =	vshll.u32 v33, $0x2;
	v48 =	vshll.u32 v18, $0x2;
	v54 =	vshll.u32 v25, $0x1;
	v9 =	vld.idx.msk [tilespmem:v9+s2+$0x0], $0xffff  }
0x26c: {  	v55 =	vshll.u32 v28, $0x1;
	v57 =	vshll.u32 v33, $0x1;
	v18 =	vshll.u32 v18, $0x1;
	v10 =	vld.idx.msk [tilespmem:v10+s2+$0x0], $0xffff  }
0x26d: {  	v23 =	vmul.u32 $0xFFFFFF38, v23;
	v26 =	vmul.u32 $0xFFFFFF38, v26;
	v34 =	vshrl.u32 v61, $0x6;
	v11 =	vld.idx.msk [tilespmem:v11+s2+$0x0], $0xffff  }
0x26e: {  	v63 =	vand.u32 $0x7FFFF800, v62;
	v45 =	vshll.u32 v61, $0x2;
	v50 =	vand.u32 $0x7FFFF800, v43;
	v13 =	vld.idx.msk [tilespmem:v13+s2+$0x0], $0xffff  }
0x26f: {  	v52 =	vand.u32 $0x7FFFF800, v46;
	v56 =	vshll.u32 v61, $0x1;
	v12 =	vadd.s32 v12, v23;
	[tilespmem:v5+s26+$0x0] =	vst.idx.msk $0xffff, v8;
	v5 =	vld.idx.msk [tilespmem:v17+s2+$0x0], $0xffff  }
0x270: {  	v58 =	vand.u32 $0x7FFFF800, v48;
	v62 =	vand.u32 $0x380, v57;
	v32 =	vshll.u32 v12, $0x3;
	[tilespmem:v3+s26+$0x0] =	vst.idx.msk $0xffff, v9;
	v3 =	vld.idx.msk [tilespmem:v24+s2+$0x0], $0xffff  }
0x271: {  	v51 =	vand.u32 $0x7FFFF800, v45;
	v12 =	vand.u32 $0x7F, v12;
	v32 =	vand.u32 $0x400, v32;
	[tilespmem:v4+s26+$0x0] =	vst.idx.msk $0xffff, v10  }
0x272: {  	v61 =	vand.u32 $0x380, v56;
	v12 =	vor.u32 v12, v32;
	v8 =	vmulhi.u32 $0x51EB851F, v22;
	[tilespmem:v2+s26+$0x0] =	vst.idx.msk $0xffff, v11  }
0x273: {  	v32 =	vand.u32 $0x380, v16;
	v4 =	vor.u32 v63, v12;
	v10 =	vmulhi.u32 $0x51EB851F, v27;
	[tilespmem:v1+s26+$0x0] =	vst.idx.msk $0xffff, v13  }
0x274: {  	v9 =	vshrl.u32 v33, $0x6;
	v2 =	vmul.u32 $0xFFFFFF38, v29;
	v11 =	vmul.u32 $0xFFFFFF38, v31;
	[tilespmem:v7+s26+$0x0] =	vst.idx.msk $0xffff, v5  }
0x275: {  	v1 =	vmul.u32 $0xFFFFFF38, v34;
	v4 =	vor.u32 v32, v4;
	v9 =	vmul.u32 $0xFFFFFF38, v9;
	[tilespmem:v6+s26+$0x0] =	vst.idx.msk $0xffff, v3  }
0x276: {  	v35 =	vshrl.u32 v8, $0x6;
	v36 =	vshrl.u32 v10, $0x6;
	v2 =	vadd.s32 v21, v2;
	[hbm4b:s18+s2] =	stream.linear.scatter [tilespmem:s26], [sflag:$0x5], $0x1000, $0x38;
	[tilespmem:$0x1E700] =	vst v63  }
0x277: {  	v1 =	vadd.s32 v19, v1;
	v47 =	vshll.u32 v8, $0x2;
	v8 =	vshll.u32 v8, $0x1;
	_ =	swait.ge [sflag:s28], $0x1000  }
0x278: {  	v12 =	vmul.u32 $0xFFFFFF38, v35;
	v9 =	vadd.s32 v20, v9;
	v38 =	vshll.u32 v1, $0x3;
	[sflag:s28] =	ssyncset.done $0x0  }
0x279: {  	v1 =	vand.u32 $0x7F, v1;
	v53 =	vand.u32 $0x7FFFF800, v47;
	v63 =	vand.u32 $0x380, v8;
	[sflag:s28] =	ssyncadd.s32 $0xFFFFF000  }
0x27a: {  	v39 =	vshll.u32 v9, $0x3;
	v13 =	vand.u32 $0x400, v38;
	v9 =	vand.u32 $0x7F, v9;
	_ =	swait.ge [sflag:s3], $0x1000  }
0x27b: {  	v5 =	vadd.s32 v15, v11;
	v7 =	vmul.u32 $0xFFFFFF38, v36;
	v11 =	vadd.s32 v22, v12;
	[sflag:s3] =	ssyncset.done $0x0  }
0x27c: {  	v3 =	vshll.u32 v2, $0x3;
	v2 =	vand.u32 $0x7F, v2;
	v1 =	vor.u32 v1, v13;
	[sflag:s3] =	ssyncadd.s32 $0xFFFFF000  }
0x27d: {  	v37 =	vshll.u32 v5, $0x3;
	v40 =	vshll.u32 v11, $0x3;
	v3 =	vand.u32 $0x400, v3;
	v44 =	vld.idx.msk [tilespmem:v4+s22+$0x0], $0xffff  }
0x27e: {  	v5 =	vand.u32 $0x7F, v5;
	v11 =	vand.u32 $0x7F, v11;
	v59 =	vor.u32 v51, v1  }
0x27f: {  	v6 =	vadd.s32 v27, v7;
	v7 =	vadd.s32 v14, v26;
	v12 =	vand.u32 $0x400, v37  }
0x280: {  	v14 =	vand.u32 $0x400, v39;
	v15 =	vand.u32 $0x400, v40;
	v2 =	vor.u32 v2, v3  }
0x281: {  	v3 =	vshll.u32 v10, $0x2;
	v10 =	vshll.u32 v10, $0x1;
	v41 =	vshll.u32 v6, $0x3  }
0x282: {  	v42 =	vshll.u32 v7, $0x3;
	v6 =	vand.u32 $0x7F, v6;
	v7 =	vand.u32 $0x7F, v7  }
0x283: {  	v5 =	vor.u32 v5, v12;
	v9 =	vor.u32 v9, v14;
	v11 =	vor.u32 v11, v15  }
0x284: {  	v3 =	vand.u32 $0x7FFFF800, v3;
	v8 =	vand.u32 $0x380, v10;
	v16 =	vand.u32 $0x400, v41  }
0x285: {  	v17 =	vand.u32 $0x400, v42;
	v5 =	vor.u32 v50, v5;
	v60 =	vor.u32 v52, v9;
	v20 =	vld.idx.msk [tilespmem:v44+s2+$0x0], $0xffff  }
0x286: {  	v11 =	vor.u32 v53, v11;
	v49 =	vor.u32 v7, v17;
	v7 =	vand.u32 $0x7FFFF800, v30  }
0x287: {  	v9 =	vand.u32 $0x380, v55;
	v6 =	vor.u32 v6, v16;
	v2 =	vor.u32 v7, v2  }
0x288: {  	v7 =	vor.u32 v3, v6;
	v1 =	vor.u32 v58, v49;
	v3 =	vand.u32 $0x380, v54  }
0x289: {  	v6 =	vor.u32 v3, v2;
	v3 =	vor.u32 v62, v60;
	v2 =	vor.u32 v63, v11  }
0x28a: {  	s5 =	simm.s32 $0x0;
	s6 =	simm.s32 $0xF0;
	[tilespmem:v4+s29+$0x0] =	vst.idx.msk $0xffff, v20;
	v4 =	vor.u32 v9, v5;
	v9 =	vand.u32 $0x380, v18;
	v5 =	vor.u32 v61, v59  }
.LBB2_16:
0x28b: {  	s7 =	sadd.s32 $0xFFFFFFA0, s6;
	s8 =	sadd.s32 $0xFFFFFFF0, s6;
	v10 =	vor.u32 s6, v0;
	s5 =	sadd.s32 $0x8, s5;
	v8 =	vor.u32 v8, v7;
	v9 =	vor.u32 v9, v1  }
0x28c: {  	s9 =	sadd.s32 $0xFFFFFFC0, s6;
	v11 =	vor.u32 s7, v0;
	s7 =	sadd.s32 $0xFFFFFFB0, s6;
	v12 =	vor.u32 s8, v0;
	v1 =	vmulhi.u32 $0x51EB851F, v10;
	p0 =	slt.u32 s5, $0xC0  }
0x28d: {  	s8 =	sadd.s32 $0xFFFFFF90, s6;
	v14 =	vor.u32 s9, v0;
	s9 =	sadd.s32 $0xFFFFFFE0, s6;
	v13 =	vor.u32 s7, v0;
	s7 =	sadd.s32 $0xFFFFFFD0, s6;
	v15 =	vmulhi.u32 $0x51EB851F, v12  }
0x28e: {  	v16 =	vor.u32 s8, v0;
	v18 =	vor.u32 s9, v0;
	v17 =	vor.u32 s7, v0;
	v19 =	vld.idx.msk [tilespmem:v6+s22+$0x0], $0xffff  }
0x28f: {  	v7 =	vmulhi.u32 $0x51EB851F, v16;
	v21 =	vshrl.u32 v1, $0x6;
	v20 =	vshrl.u32 v15, $0x6;
	v22 =	vld.idx.msk [tilespmem:v4+s22+$0x0], $0xffff  }
0x290: {  	v23 =	vmulhi.u32 $0x51EB851F, v11;
	v21 =	vmul.u32 $0xFFFFFF38, v21;
	v20 =	vmul.u32 $0xFFFFFF38, v20;
	v24 =	vld.idx.msk [tilespmem:v5+s22+$0x0], $0xffff  }
0x291: {  	v27 =	vmulhi.u32 $0x51EB851F, v13;
	v25 =	vshrl.u32 v7, $0x6;
	v26 =	vshll.u32 v7, $0x2;
	v28 =	vld.idx.msk [tilespmem:v3+s22+$0x0], $0xffff  }
0x292: {  	v30 =	vmulhi.u32 $0x51EB851F, v14;
	v29 =	vshrl.u32 v23, $0x6;
	v12 =	vadd.s32 v12, v20;
	v20 =	vld.idx.msk [tilespmem:v2+s22+$0x0], $0xffff  }
0x293: {  	v32 =	vmulhi.u32 $0x51EB851F, v17;
	v31 =	vshrl.u32 v27, $0x6;
	v33 =	vshll.u32 v12, $0x3;
	v34 =	vld.idx.msk [tilespmem:v8+s22+$0x0], $0xffff  }
0x294: {  	v35 =	vshll.u32 v15, $0x2;
	v12 =	vand.u32 $0x7F, v12;
	v33 =	vand.u32 $0x400, v33;
	v36 =	vld.idx.msk [tilespmem:v9+s22+$0x0], $0xffff  }
0x295: {  	v15 =	vshll.u32 v15, $0x1;
	v35 =	vand.u32 $0x7FFFF800, v35;
	v12 =	vor.u32 v12, v33  }
0x296: {  	v15 =	vand.u32 $0x380, v15;
	v33 =	vmulhi.u32 $0x51EB851F, v18;
	v12 =	vor.u32 v35, v12;
	v19 =	vld.idx.msk [tilespmem:v19+s2+$0x0], $0xffff  }
0x297: {  	v37 =	vshrl.u32 v32, $0x6;
	v35 =	vshrl.u32 v30, $0x6;
	v12 =	vor.u32 v15, v12;
	v15 =	vld.idx.msk [tilespmem:v22+s2+$0x0], $0xffff  }
0x298: {  	v22 =	vmul.u32 $0xFFFFFF38, v25;
	v25 =	vmul.u32 $0xFFFFFF38, v29;
	v29 =	vshrl.u32 v33, $0x6;
	v24 =	vld.idx.msk [tilespmem:v24+s2+$0x0], $0xffff  }
0x299: {  	v31 =	vmul.u32 $0xFFFFFF38, v31;
	v37 =	vmul.u32 $0xFFFFFF38, v37;
	v35 =	vmul.u32 $0xFFFFFF38, v35;
	v28 =	vld.idx.msk [tilespmem:v28+s2+$0x0], $0xffff  }
0x29a: {  	v16 =	vadd.s32 v16, v22;
	v11 =	vadd.s32 v11, v25;
	v22 =	vmul.u32 $0xFFFFFF38, v29;
	v20 =	vld.idx.msk [tilespmem:v20+s2+$0x0], $0xffff  }
0x29b: {  	v13 =	vadd.s32 v13, v31;
	v17 =	vadd.s32 v17, v37;
	v14 =	vadd.s32 v14, v35;
	v25 =	vld.idx.msk [tilespmem:v34+s2+$0x0], $0xffff  }
0x29c: {  	v10 =	vadd.s32 v10, v21;
	v29 =	vshll.u32 v16, $0x3;
	v18 =	vadd.s32 v18, v22;
	v22 =	vld.idx.msk [tilespmem:v12+s22+$0x0], $0xffff  }
0x29d: {  	v31 =	vshll.u32 v13, $0x3;
	v21 =	vshll.u32 v11, $0x3;
	v34 =	vshll.u32 v14, $0x3;
	[tilespmem:v6+s29+$0x0] =	vst.idx.msk $0xffff, v19;
	v6 =	vld.idx.msk [tilespmem:v36+s2+$0x0], $0xffff  }
0x29e: {  	v35 =	vshll.u32 v18, $0x3;
	v19 =	vshll.u32 v17, $0x3;
	v36 =	vshll.u32 v10, $0x3;
	[tilespmem:v4+s29+$0x0] =	vst.idx.msk $0xffff, v15  }
0x29f: {  	v4 =	vand.u32 $0x400, v29;
	v15 =	vand.u32 $0x400, v21;
	v21 =	vand.u32 $0x400, v31;
	[tilespmem:v5+s29+$0x0] =	vst.idx.msk $0xffff, v24  }
0x2a0: {  	v19 =	vand.u32 $0x400, v19;
	v5 =	vand.u32 $0x400, v34;
	v24 =	vand.u32 $0x400, v35;
	[tilespmem:v3+s29+$0x0] =	vst.idx.msk $0xffff, v28  }
0x2a1: {  	v13 =	vand.u32 $0x7F, v13;
	v11 =	vand.u32 $0x7F, v11;
	v3 =	vand.u32 $0x7F, v16;
	[tilespmem:v2+s29+$0x0] =	vst.idx.msk $0xffff, v20  }
0x2a2: {  	v16 =	vand.u32 $0x7F, v18;
	v2 =	vand.u32 $0x7F, v14;
	v14 =	vand.u32 $0x7F, v17;
	[tilespmem:v8+s29+$0x0] =	vst.idx.msk $0xffff, v25  }
0x2a3: {  	v10 =	vand.u32 $0x7F, v10;
	v17 =	vand.u32 $0x400, v36;
	v8 =	vshll.u32 v23, $0x2;
	[tilespmem:v9+s29+$0x0] =	vst.idx.msk $0xffff, v6  }
0x2a4: {  	v18 =	vshll.u32 v32, $0x2;
	v6 =	vshll.u32 v27, $0x2;
	v9 =	vshll.u32 v30, $0x2;
	v20 =	vld.idx.msk [tilespmem:v22+s2+$0x0], $0xffff  }
0x2a5: {  	v3 =	vor.u32 v3, v4;
	v4 =	vshll.u32 v33, $0x2;
	v22 =	vshll.u32 v1, $0x2  }
0x2a6: {  	v11 =	vor.u32 v11, v15;
	v13 =	vor.u32 v13, v21;
	v2 =	vor.u32 v2, v5  }
0x2a7: {  	v5 =	vor.u32 v14, v19;
	v14 =	vor.u32 v16, v24;
	v10 =	vor.u32 v10, v17  }
0x2a8: {  	v15 =	vand.u32 $0x7FFFF800, v26;
	v8 =	vand.u32 $0x7FFFF800, v8;
	v6 =	vand.u32 $0x7FFFF800, v6  }
0x2a9: {  	v16 =	vand.u32 $0x7FFFF800, v18;
	v4 =	vand.u32 $0x7FFFF800, v4;
	v9 =	vand.u32 $0x7FFFF800, v9  }
0x2aa: {  	v17 =	vshll.u32 v7, $0x1;
	v18 =	vshll.u32 v23, $0x1;
	v19 =	vshll.u32 v27, $0x1;
	[tilespmem:v12+s29+$0x0] =	vst.idx.msk $0xffff, v20  }
0x2ab: {  	v21 =	vshll.u32 v33, $0x1;
	v12 =	vshll.u32 v30, $0x1;
	v20 =	vshll.u32 v32, $0x1  }
0x2ac: {  	v3 =	vor.u32 v15, v3;
	v15 =	vand.u32 $0x7FFFF800, v22;
	v22 =	vshll.u32 v1, $0x1  }
0x2ad: {  	v11 =	vor.u32 v8, v11;
	v13 =	vor.u32 v6, v13;
	v2 =	vor.u32 v9, v2  }
.Ltmp7:
0x2ae: {  	v16 =	vor.u32 v16, v5;
	v7 =	vor.u32 v4, v14;
	v1 =	vor.u32 v15, v10;
	(pc) =	sbr.rel @p0 .LBB2_16-.Ltmp7, $4  }
0x2af: {  	v4 =	vand.u32 $0x380, v17;
	v5 =	vand.u32 $0x380, v18;
	v10 =	vand.u32 $0x380, v19  }
0x2b0: {  	v8 =	vand.u32 $0x380, v21;
	v12 =	vand.u32 $0x380, v12;
	v14 =	vand.u32 $0x380, v20  }
0x2b1: {  	v6 =	vor.u32 v4, v3;
	v4 =	vor.u32 v5, v11;
	v9 =	vand.u32 $0x380, v22  }
0x2b2: {  	s6 =	sadd.s32 $0x80, s6;
	v5 =	vor.u32 v10, v13;
	v3 =	vor.u32 v12, v2;
	v2 =	vor.u32 v14, v16  }
0x2b3: {  	_ =	sdelay $0x3  }
0x2b4: {  	v7 =	vor.u32 v8, v7;
	v61 =	vld.idx.msk [tilespmem:v6+s22+$0x0], $0xffff  }
0x2b5: {  	v1 =	vor.u32 v9, v1;
	v62 =	vld.idx.msk [tilespmem:v4+s22+$0x0], $0xffff  }
0x2b6: {  	v10 =	vld.idx.msk [tilespmem:v5+s22+$0x0], $0xffff  }
0x2b7: {  	v11 =	vld.idx.msk [tilespmem:v3+s22+$0x0], $0xffff  }
0x2b8: {  	v12 =	vld.idx.msk [tilespmem:v2+s22+$0x0], $0xffff  }
0x2b9: {  	v13 =	vld.idx.msk [tilespmem:v7+s22+$0x0], $0xffff  }
0x2ba: {  	v14 =	vld.idx.msk [tilespmem:v1+s22+$0x0], $0xffff;
	_ =	sdelay $0x1  }
0x2bb: {  	v8 =	vld.idx.msk [tilespmem:v61+s2+$0x0], $0xffff  }
0x2bc: {  	v9 =	vld.idx.msk [tilespmem:v62+s2+$0x0], $0xffff  }
0x2bd: {  	v10 =	vld.idx.msk [tilespmem:v10+s2+$0x0], $0xffff  }
0x2be: {  	v11 =	vld.idx.msk [tilespmem:v11+s2+$0x0], $0xffff  }
0x2bf: {  	v12 =	vld.idx.msk [tilespmem:v12+s2+$0x0], $0xffff  }
0x2c0: {  	v13 =	vld.idx.msk [tilespmem:v13+s2+$0x0], $0xffff;
	[tilespmem:v6+s29+$0x0] =	vst.idx.msk $0xffff, v8  }
0x2c1: {  	v63 =	vld.idx.msk [tilespmem:v14+s2+$0x0], $0xffff;
	[tilespmem:v4+s29+$0x0] =	vst.idx.msk $0xffff, v9  }
0x2c2: {  	[tilespmem:v5+s29+$0x0] =	vst.idx.msk $0xffff, v10  }
0x2c3: {  	[tilespmem:v3+s29+$0x0] =	vst.idx.msk $0xffff, v11  }
0x2c4: {  	[tilespmem:v2+s29+$0x0] =	vst.idx.msk $0xffff, v12  }
0x2c5: {  	[tilespmem:v7+s29+$0x0] =	vst.idx.msk $0xffff, v13  }
0x2c6: {  	[tilespmem:v1+s29+$0x0] =	vst.idx.msk $0xffff, v63  }
0x2c7: {  	[hbm4b:s19+s2] =	stream.linear.scatter [tilespmem:s29], [sflag:$0x6], $0x1000, $0x38;
	[tilespmem:$0x1E700] =	vst v63  }
0x2c8: {  	_ =	swait.ge [sflag:s0], $0x1000  }
0x2c9: {  	[sflag:s0] =	ssyncset.done $0x0  }
0x2ca: {  	s4 =	sadd.s32 $0x1, s4;
	[sflag:s0] =	ssyncadd.s32 $0xFFFFF000  }
0x2cb: {  	p0 =	sne.s32 s4, s20;
	_ =	swait.ge [sflag:s3], $0x1000  }
.Ltmp8:
0x2cc: {  	[sflag:s3] =	ssyncset.done $0x0;
	(pc) =	sbr.rel @p0 .LBB2_1-.Ltmp8, $4  }
0x2cd: {  	[sflag:s3] =	ssyncadd.s32 $0xFFFFF000  }
0x2ce: {  	_ =	swait.ge [sflag:s1], $0x1000  }
0x2cf: {  	[sflag:s1] =	ssyncset.done $0x0  }
0x2d0: {  	[sflag:s1] =	ssyncadd.s32 $0xFFFFF000  }
0x2d1: {  	_ =	sfence.sel $0x180000  }
0x2d2: {  	[bflag:$0x0] =	sbarrier.arrive $0xFFFF  }
0x2d3: {  	_ =	strace $0x90000047  }
0x2d4: {  	s0 =	stileid.u32;
	[bflag:$0x2] =	sbarrier.arrive $0xFFFF  }
0x2d5: {  	p0 =	sne.s32 s0, $0x0;
	s0 =	rddreg [dreg:$0x2]  }
0x2d6: {  	s0 =	sadd.s32 @!p0 $0x100000, s0  }
0x2d7: {  	[sflag:s0] =	ssyncadd.tile.s32 @!p0 $0x1;
	_ =	shalt  }
.Lfunc_end2:
_tile_overlayer_lowered:
.L_overlay_start_2:
0x2d8: {  	(tag) =	ssettag $0x2  }
0x2d9: {  	s0 =	rddreg [dreg:$0x0];
	s2 =	stileid.u32  }
0x2da: {  	s1 =	rddreg [dreg:$0x1];
	p0 =	sne.s32 s2, $0x0  }
0x2db: {  	s3 =	rddreg [dreg:$0x2];
	[bflag:$0x3] =	sbarrier.arrive $0xFFFF;
	s2 =	simm.s32 @!p0 $0x1C08  }
0x2dc: {  	[timem:s3], [sflag:s2] =	dma.local @!p0 [hbm:s0], s1  }
0x2dd: {  	s0 =	simm.s32 @!p0 $0x8  }
0x2de: {  	_ =	swait.ge @!p0 [sflag:s0], s1  }
0x2df: {  	s1 =	ssub.s32 @!p0 $0x0, s1;
	[sflag:s0] =	ssyncset.done @!p0 $0x0  }
0x2e0: {  	[sflag:s0] =	ssyncadd.s32 @!p0 s1  }
0x2e1: {  	[bflag:$0x3] =	sbarrier.arrive $0xFFFF  }
0x2e2: {  	_ =	shalt  }

</sc_bundles>
